<compile_context>
chip_gen: v7x
topology: tpu7x:2x2x1
jax: 0.10.2.dev20260603
libtpu: 0.0.44.dev20260713+nightly
codegen_flags: <defaults>
</compile_context>

<pallas_src>
import functools

import jax
import jax.numpy as jnp
import numpy as np
from jax import lax
from jax.experimental import pallas as pl
from jax.experimental.pallas import tpu as pltpu
from jax.experimental.pallas import tpu_sc as plsc

B = 64
N = 3 * 224 * 224
W = 10752
NWIN = N // W
VPW = W // 16
NBINS = 1 << 15
NC, NS = 2, 16
SAMPLES_PER_TILE = B // (NC * NS)

_PERM = (
    19, 54, 30, 7, 6, 35, 23, 58, 16, 21, 61, 38, 3, 26, 32, 37,
    56, 51, 2, 63, 52, 20, 44, 47, 50, 42, 62, 53, 0, 8, 22, 13,
    29, 34, 18, 24, 1, 48, 5, 45, 49, 33, 55, 60, 57, 27, 10, 15,
    40, 17, 59, 36, 28, 46, 9, 4, 12, 14, 31, 41, 25, 43, 39, 11,
)


def _mesh():
  return plsc.VectorSubcoreMesh(
      core_axis_name="c", subcore_axis_name="s", num_cores=NC, num_subcores=NS)


def _sort_body(x_hbm, sums, s1k, s1i, offs2,
               hist1, hist2, xbuf, kbuf, ibuf, dbuf, v16, sem0, sem1):
  wid = lax.axis_index("c") * NS + lax.axis_index("s")
  lanes = lax.iota(jnp.int32, 16)

  for sl in range(SAMPLES_PER_TILE):
    samp = wid * SAMPLES_PER_TILE + sl
    base = samp * N

    def zero_body(i, carry):
      z = jnp.zeros((16,), jnp.int32)
      hist1[pl.ds(i * 16, 16)] = z
      hist2[pl.ds(i * 16, 16)] = z
      return carry
    lax.fori_loop(0, NBINS // 16, zero_body, 0)

    def histo_win(w, vsum):
      pltpu.sync_copy(x_hbm.at[pl.ds(base + w * W, W)], xbuf)
      def body(i, vs):
        h = xbuf[pl.ds(i * 16, 16)] + 0.5
        k = lax.bitcast_convert_type(h, jnp.int32)
        d1 = k & (NBINS - 1)
        d2 = lax.shift_right_logical(k, 15)
        c1, m1 = plsc.scan_count(d1)
        plsc.addupdate_scatter(hist1, [d1], c1, mask=m1)
        c2, m2 = plsc.scan_count(d2)
        plsc.addupdate_scatter(hist2, [d2], c2, mask=m2)
        return vs + h
      return lax.fori_loop(0, VPW, body, vsum)
    vsum = lax.fori_loop(0, NWIN, histo_win, jnp.zeros((16,), jnp.float32))
    v16[...] = vsum
    pltpu.sync_copy(v16, sums.at[pl.ds(samp * 16, 16)])

    def prefix(hist):
      def body(i, carry):
        v = hist[pl.ds(i * 16, 16)]
        cs = plsc.cumsum(v)
        hist[pl.ds(i * 16, 16)] = carry + (cs - v)
        return carry + jnp.sum(v)
      lax.fori_loop(0, NBINS // 16, body,
                    jnp.full((16,), base, jnp.int32))
    prefix(hist1)
    prefix(hist2)
    pltpu.sync_copy(hist2, offs2.at[pl.ds(samp * NBINS, NBINS)])

    def low_win(w, carry):
      wbase = base + w * W
      pltpu.sync_copy(x_hbm.at[pl.ds(wbase, W)], xbuf)
      def body(i, c):
        h = xbuf[pl.ds(i * 16, 16)] + 0.5
        k = lax.bitcast_convert_type(h, jnp.int32)
        d1 = k & (NBINS - 1)
        cnt, mlast = plsc.scan_count(d1)
        old = plsc.load_gather(hist1, [d1])
        dbuf[pl.ds(i * 16, 16)] = old + cnt - 1
        kbuf[pl.ds(i * 16, 16)] = h
        ibuf[pl.ds(i * 16, 16)] = (wbase + i * 16) + lanes
        plsc.addupdate_scatter(hist1, [d1], cnt, mask=mlast)
        return c
      lax.fori_loop(0, VPW, body, 0)
      cp0 = pltpu.async_copy(kbuf, s1k.at[dbuf], sem0)
      cp1 = pltpu.async_copy(ibuf, s1i.at[dbuf], sem1)
      cp0.wait()
      cp1.wait()
      return carry
    lax.fori_loop(0, NWIN, low_win, 0)


def _highpass_body(s1k, s1i, offs2, s2k, s2i,
                   hist2, xbuf, ibuf, dbuf, sem0, sem1):
  wid = lax.axis_index("c") * NS + lax.axis_index("s")
  for sl in range(SAMPLES_PER_TILE):
    samp = wid * SAMPLES_PER_TILE + sl
    base = samp * N
    pltpu.sync_copy(offs2.at[pl.ds(samp * NBINS, NBINS)], hist2)
    def high_win(w, carry):
      wbase = base + w * W
      pltpu.sync_copy(s1k.at[pl.ds(wbase, W)], xbuf)
      pltpu.sync_copy(s1i.at[pl.ds(wbase, W)], ibuf)
      def body(i, c):
        h = xbuf[pl.ds(i * 16, 16)]
        k = lax.bitcast_convert_type(h, jnp.int32)
        d2 = lax.shift_right_logical(k, 15)
        cnt, mlast = plsc.scan_count(d2)
        old = plsc.load_gather(hist2, [d2])
        dbuf[pl.ds(i * 16, 16)] = old + cnt - 1
        plsc.addupdate_scatter(hist2, [d2], cnt, mask=mlast)
        return c
      lax.fori_loop(0, VPW, body, 0)
      cp0 = pltpu.async_copy(xbuf, s2k.at[dbuf], sem0)
      cp1 = pltpu.async_copy(ibuf, s2i.at[dbuf], sem1)
      cp0.wait()
      cp1.wait()
      return carry
    lax.fori_loop(0, NWIN, high_win, 0)


NCHUNK = 2
Q = N // NCHUNK


def _match_body(s2k, s2i, sums, perm, out, xbuf, ibuf, cbuf, pvec, v16):
  wid = lax.axis_index("c") * NS + lax.axis_index("s")
  pltpu.sync_copy(perm, pvec)
  for sl in range(SAMPLES_PER_TILE):
    b = wid * SAMPLES_PER_TILE + sl
    p = pvec[pl.ds(b * 16, 16)][0]
    bbase = b * N
    pbase = p * N
    pltpu.sync_copy(sums.at[pl.ds(p * 16, 16)], v16)
    mvec = jnp.full((16,), np.float32(1.0 / N)) * jnp.sum(v16[...])
    lo = jnp.full((16,), np.float32(0.001))
    hi = jnp.full((16,), np.float32(1.0 - 0.001))
    for r in range(NCHUNK):
      rbase = bbase + r * Q
      def win(w, carry):
        pltpu.sync_copy(s2k.at[pl.ds(pbase + w * W, W)], xbuf)
        pltpu.sync_copy(s2i.at[pl.ds(bbase + w * W, W)], ibuf)
        def body(i, c):
          v = xbuf[pl.ds(i * 16, 16)]
          g = v - mvec + 0.5
          g = jnp.minimum(jnp.maximum(g, lo), hi)
          g = g * 0.8 - 0.5
          il = ibuf[pl.ds(i * 16, 16)] - rbase
          msk = jnp.logical_and(il >= 0, il < Q)
          plsc.store_scatter(cbuf, [il], g, mask=msk)
          return c
        lax.fori_loop(0, VPW, body, 0)
        return carry
      lax.fori_loop(0, NWIN, win, 0)
      pltpu.sync_copy(cbuf, out.at[pl.ds(rbase, Q)])


@jax.jit
def kernel(x):
  shape = x.shape
  xf = x.reshape(-1)
  f32, i32 = jnp.float32, jnp.int32
  sort_k = pl.kernel(
      _sort_body,
      out_type=(
          jax.ShapeDtypeStruct((B * 16,), f32),
          jax.ShapeDtypeStruct((B * N,), f32),
          jax.ShapeDtypeStruct((B * N,), i32),
          jax.ShapeDtypeStruct((B * NBINS,), i32),
      ),
      mesh=_mesh(),
      compiler_params=pltpu.CompilerParams(needs_layout_passes=False),
      scratch_types=[
          pltpu.VMEM((NBINS,), i32),
          pltpu.VMEM((NBINS,), i32),
          pltpu.VMEM((W,), f32),
          pltpu.VMEM((W,), f32),
          pltpu.VMEM((W,), i32),
          pltpu.VMEM((W,), i32),
          pltpu.VMEM((16,), f32),
          pltpu.SemaphoreType.DMA,
          pltpu.SemaphoreType.DMA,
      ],
  )
  sums, s1k, s1i, offs2 = sort_k(xf)
  high_k = pl.kernel(
      _highpass_body,
      out_type=(
          jax.ShapeDtypeStruct((B * N,), f32),
          jax.ShapeDtypeStruct((B * N,), i32),
      ),
      mesh=_mesh(),
      compiler_params=pltpu.CompilerParams(needs_layout_passes=False),
      scratch_types=[
          pltpu.VMEM((NBINS,), i32),
          pltpu.VMEM((W,), f32),
          pltpu.VMEM((W,), i32),
          pltpu.VMEM((W,), i32),
          pltpu.SemaphoreType.DMA,
          pltpu.SemaphoreType.DMA,
      ],
  )
  s2k, s2i = high_k(s1k, s1i, offs2)
  match_k = pl.kernel(
      _match_body,
      out_type=jax.ShapeDtypeStruct((B * N,), f32),
      mesh=_mesh(),
      compiler_params=pltpu.CompilerParams(needs_layout_passes=False),
      scratch_types=[
          pltpu.VMEM((W,), f32),
          pltpu.VMEM((W,), i32),
          pltpu.VMEM((Q,), f32),
          pltpu.VMEM((B * 16,), i32),
          pltpu.VMEM((16,), f32),
      ],
  )
  perm16 = jnp.asarray(np.repeat(np.asarray(_PERM, np.int32), 16))
  outf = match_k(s2k, s2i, sums, perm16)
  return outf.reshape(shape)

# --- scband reference (transcript-rebuilt; emitter-appended) ---
"""Pipeline reference for scband-augmenter-1065151889699 (READ-ONLY COPY).

The authoritative reference and input builder live on the scoring server;
editing this copy changes nothing except your own understanding.
"""

import jax, jax.numpy as jnp
import numpy as np

CONTRAST_FACTOR = 0.8


def setup_inputs(seed: int = 0) -> dict:
    key = jax.random.key(seed)
    # expect_glow_range=True means inputs live in [-0.5, 0.5]
    x = jax.random.uniform(key, (64, 3, 224, 224), dtype=jnp.float32) - 0.5
    return {"x": x}


def reference(x):
    shape = x.shape
    B = shape[0]
    # deterministic stand-in for th.randperm(len(x)); integer constant w.r.t. autodiff
    perm = jax.random.permutation(jax.random.key(1), B)

    # expect_glow_range: shift into [0, 1] glow range
    h = x + 0.5

    # mix_grayscale_dists: histogram matching against a permuted batch member,
    # with straight-through gradient (value swap is detached)
    h_flat = h.reshape(B, -1)
    h_other = h[perm].reshape(B, -1)
    val_sorted = jnp.sort(h_other, axis=1)
    ranks = jnp.argsort(jnp.argsort(h_flat, axis=1), axis=1)
    changed = jnp.take_along_axis(val_sorted, ranks, axis=1)
    changed = h_flat + jax.lax.stop_gradient(changed - h_flat)
    h = changed.reshape(shape)

    # demean + straight-through clamp to (0.001, 0.999)
    h = h - h.mean(axis=(1, 2, 3), keepdims=True) + 0.5
    h = h + jax.lax.stop_gradient(jnp.clip(h, 0.001, 1.0 - 0.001) - h)

    # kornia.enhance.adjust_contrast: multiply by factor, clip to [0, 1]
    h = jnp.clip(h * CONTRAST_FACTOR, 0.0, 1.0)

    # std_noise_factor is None -> no noise branch

    # expect_glow_range: shift back
    h = h - 0.5
    return h

if __name__ == "__main__":
    import jax
    _d = setup_inputs()
    print(jax.jit(kernel)(*tuple(_d.values())))

</pallas_src>

<mosaic_0001>
#map = affine_map<(d0, d1) -> (0)>
module attributes {stable_mosaic.version = 14 : i64} {
  func.func @_highpass_body(%arg0: i32, %arg1: i32, %arg2: memref<9633792xf32, #tpu.memory_space<hbm>>, %arg3: memref<9633792xi32, #tpu.memory_space<hbm>>, %arg4: memref<2097152xi32, #tpu.memory_space<hbm>>, %arg5: memref<9633792xf32, #tpu.memory_space<hbm>>, %arg6: memref<9633792xi32, #tpu.memory_space<hbm>>, %arg7: memref<32768xi32, #tpu.memory_space<vmem>>, %arg8: memref<10752xf32, #tpu.memory_space<vmem>>, %arg9: memref<10752xi32, #tpu.memory_space<vmem>>, %arg10: memref<10752xi32, #tpu.memory_space<vmem>>, %arg11: memref<!tpu.dma_semaphore, #tpu.memory_space<semaphore_mem>>, %arg12: memref<!tpu.dma_semaphore, #tpu.memory_space<semaphore_mem>>) attributes {dimension_semantics = [#tpu.dimension_semantics<core_parallel>, #tpu.dimension_semantics<subcore_parallel>], iteration_bounds = array<i64: 2, 16>, scalar_prefetch = 0 : i64, scratch_operands = 6 : i64, tpu.core_type = #tpu.core_type<sc_vector_subcore>, window_params = [{transform_indices = #map}, {transform_indices = #map}, {transform_indices = #map}, {transform_indices = #map}, {transform_indices = #map}]} {
    %mul3A = arith.constant 16 : i32
    %mul3A_0 = arith.muli %arg0, %mul3A : i32
    %add3A = arith.addi %mul3A_0, %arg1 : i32
    %mul3A_1 = arith.constant 2 : i32
    %mul3A_2 = arith.muli %add3A, %mul3A_1 : i32
    %add3A_3 = arith.constant 0 : i32
    %add3A_4 = arith.addi %mul3A_2, %add3A_3 : i32
    %mul3A_5 = arith.constant 150528 : i32
    %mul3A_6 = arith.muli %add3A_4, %mul3A_5 : i32
    %mul3A_7 = arith.constant 32768 : i32
    %mul3A_8 = arith.muli %add3A_4, %mul3A_7 : i32
    "tpu.region"() ({
      %run_scoped3A = tpu.sem_alloc : memref<!tpu.dma_semaphore, #tpu.memory_space<semaphore_mem>>
      %dma_start3A = tpu.memref_slice %arg4[%mul3A_8] : memref<2097152xi32, #tpu.memory_space<hbm>> -> memref<32768xi32, #tpu.memory_space<hbm>>
      %dma_start3A_28 = tpu.memref_slice %arg4[%mul3A_8] : memref<2097152xi32, #tpu.memory_space<hbm>> -> memref<32768xi32, #tpu.memory_space<hbm>>
      tpu.enqueue_dma source(%dma_start3A_28 : memref<32768xi32, #tpu.memory_space<hbm>>) target(%arg7 : memref<32768xi32, #tpu.memory_space<vmem>>) target_semaphore(%run_scoped3A : memref<!tpu.dma_semaphore, #tpu.memory_space<semaphore_mem>>)
      %dma_wait3A = tpu.memref_slice %arg4[%mul3A_8] : memref<2097152xi32, #tpu.memory_space<hbm>> -> memref<32768xi32, #tpu.memory_space<hbm>>
      %dma_wait3A_29 = tpu.memref_slice %arg4[%mul3A_8] : memref<2097152xi32, #tpu.memory_space<hbm>> -> memref<32768xi32, #tpu.memory_space<hbm>>
      tpu.wait_dma2 semaphore(%run_scoped3A : memref<!tpu.dma_semaphore, #tpu.memory_space<semaphore_mem>>) src(%dma_wait3A_29 : memref<32768xi32, #tpu.memory_space<hbm>>) dst(%arg7 : memref<32768xi32, #tpu.memory_space<vmem>>)
      tpu.yield
    }) : () -> ()
    %scan3A = arith.constant 0 : i32
    %scan3A_9 = arith.constant 0 : i32
    %scan3A_10 = arith.constant 14 : i32
    %scan3A_11 = arith.addi %scan3A_9, %scan3A_10 : i32
    %scan3A_12 = arith.constant 1 : i32
    scf.for %scan3A_28 = %scan3A_9 to %scan3A_11 step %scan3A_12  : i32 {
      %mul3A_29 = arith.constant 10752 : i32
      %mul3A_30 = arith.muli %scan3A_28, %mul3A_29 : i32
      %add3A_31 = arith.addi %mul3A_6, %mul3A_30 : i32
      "tpu.region"() ({
        %run_scoped3A = tpu.sem_alloc : memref<!tpu.dma_semaphore, #tpu.memory_space<semaphore_mem>>
        %dma_start3A_44 = tpu.memref_slice %arg2[%add3A_31] : memref<9633792xf32, #tpu.memory_space<hbm>> -> memref<10752xf32, #tpu.memory_space<hbm>>
        %dma_start3A_45 = tpu.memref_slice %arg2[%add3A_31] : memref<9633792xf32, #tpu.memory_space<hbm>> -> memref<10752xf32, #tpu.memory_space<hbm>>
        tpu.enqueue_dma source(%dma_start3A_45 : memref<10752xf32, #tpu.memory_space<hbm>>) target(%arg8 : memref<10752xf32, #tpu.memory_space<vmem>>) target_semaphore(%run_scoped3A : memref<!tpu.dma_semaphore, #tpu.memory_space<semaphore_mem>>)
        %dma_wait3A_46 = tpu.memref_slice %arg2[%add3A_31] : memref<9633792xf32, #tpu.memory_space<hbm>> -> memref<10752xf32, #tpu.memory_space<hbm>>
        %dma_wait3A_47 = tpu.memref_slice %arg2[%add3A_31] : memref<9633792xf32, #tpu.memory_space<hbm>> -> memref<10752xf32, #tpu.memory_space<hbm>>
        tpu.wait_dma2 semaphore(%run_scoped3A : memref<!tpu.dma_semaphore, #tpu.memory_space<semaphore_mem>>) src(%dma_wait3A_47 : memref<10752xf32, #tpu.memory_space<hbm>>) dst(%arg8 : memref<10752xf32, #tpu.memory_space<vmem>>)
        tpu.yield
      }) : () -> ()
      "tpu.region"() ({
        %run_scoped3A = tpu.sem_alloc : memref<!tpu.dma_semaphore, #tpu.memory_space<semaphore_mem>>
        %dma_start3A_44 = tpu.memref_slice %arg3[%add3A_31] : memref<9633792xi32, #tpu.memory_space<hbm>> -> memref<10752xi32, #tpu.memory_space<hbm>>
        %dma_start3A_45 = tpu.memref_slice %arg3[%add3A_31] : memref<9633792xi32, #tpu.memory_space<hbm>> -> memref<10752xi32, #tpu.memory_space<hbm>>
        tpu.enqueue_dma source(%dma_start3A_45 : memref<10752xi32, #tpu.memory_space<hbm>>) target(%arg9 : memref<10752xi32, #tpu.memory_space<vmem>>) target_semaphore(%run_scoped3A : memref<!tpu.dma_semaphore, #tpu.memory_space<semaphore_mem>>)
        %dma_wait3A_46 = tpu.memref_slice %arg3[%add3A_31] : memref<9633792xi32, #tpu.memory_space<hbm>> -> memref<10752xi32, #tpu.memory_space<hbm>>
        %dma_wait3A_47 = tpu.memref_slice %arg3[%add3A_31] : memref<9633792xi32, #tpu.memory_space<hbm>> -> memref<10752xi32, #tpu.memory_space<hbm>>
        tpu.wait_dma2 semaphore(%run_scoped3A : memref<!tpu.dma_semaphore, #tpu.memory_space<semaphore_mem>>) src(%dma_wait3A_47 : memref<10752xi32, #tpu.memory_space<hbm>>) dst(%arg9 : memref<10752xi32, #tpu.memory_space<vmem>>)
        tpu.yield
      }) : () -> ()
      %scan3A_32 = arith.constant 0 : i32
      %scan3A_33 = arith.constant 0 : i32
      %scan3A_34 = arith.constant 672 : i32
      %scan3A_35 = arith.addi %scan3A_33, %scan3A_34 : i32
      %scan3A_36 = arith.constant 1 : i32
      scf.for %scan3A_44 = %scan3A_33 to %scan3A_35 step %scan3A_36  : i32 {
        %mul3A_45 = arith.constant 16 : i32
        %mul3A_46 = arith.muli %scan3A_44, %mul3A_45 : i32
        %get3A = arith.index_cast %mul3A_46 : i32 to index
        %get3A_47 = tpu.vector_load %arg8[%get3A] {strides = array<i32>} : memref<10752xf32, #tpu.memory_space<vmem>>, vector<16xf32>,
        %bitcast_convert_type3A = tpu.bitcast %get3A_47 : vector<16xf32> -> vector<16xi32>
        %shift_right_logical3A = arith.constant 15 : i32
        %shift_right_logical3A_48 = vector.broadcast %shift_right_logical3A : i32 to vector<16xi32>
        %shift_right_logical3A_49 = arith.shrui %bitcast_convert_type3A, %shift_right_logical3A_48 : vector<16xi32>
        %broadcast_in_dim3A = arith.constant true
        %broadcast_in_dim3A_50 = vector.broadcast %broadcast_in_dim3A : i1 to vector<16xi1>
        %unique3A, %unique3A_51 = tpu.scan_count mask(%broadcast_in_dim3A_50 : vector<16xi1>) value(%shift_right_logical3A_49 : vector<16xi32>) : vector<16xi1>, vector<16xi32>
        %gather3A = tpu.vector_load_idx %arg7[%shift_right_logical3A_49] : memref<32768xi32, #tpu.memory_space<vmem>>[vector<16xi32>], vector<16xi32>,
        %add3A_52 = arith.addi %gather3A, %unique3A_51 : vector<16xi32>
        %sub3A = arith.constant 1 : i32
        %sub3A_53 = vector.broadcast %sub3A : i32 to vector<16xi32>
        %sub3A_54 = arith.subi %add3A_52, %sub3A_53 : vector<16xi32>
        %mul3A_55 = arith.constant 16 : i32
        %mul3A_56 = arith.muli %scan3A_44, %mul3A_55 : i32
        %swap3A = arith.index_cast %mul3A_56 : i32 to index
        %swap3A_57 = tpu.vector_load %arg10[%swap3A] {strides = array<i32>} : memref<10752xi32, #tpu.memory_space<vmem>>, vector<16xi32>,
        tpu.vector_store %arg10[%swap3A], %sub3A_54 {strides = array<i32>} : memref<10752xi32, #tpu.memory_space<vmem>>, vector<16xi32>,
        tpu.vector_store_idx %arg7[%shift_right_logical3A_49], %unique3A_51 masked %unique3A {add = true} : memref<32768xi32, #tpu.memory_space<vmem>>[vector<16xi32>], vector<16xi32>, vector<16xi1>
      }
      %scan3A_37 = arith.constant 672 : i32
      %dma_start3A = arith.constant 0 : i32
      %dma_start3A_38 = tpu.memref_slice %arg5[%dma_start3A] : memref<9633792xf32, #tpu.memory_space<hbm>> -> memref<9633792xf32, #tpu.memory_space<hbm>>
      tpu.enqueue_indirect_dma source(%arg8 : memref<10752xf32, #tpu.memory_space<vmem>>) target(%dma_start3A_38 : memref<9633792xf32, #tpu.memory_space<hbm>>) offsets(%arg10 : memref<10752xi32, #tpu.memory_space<vmem>>) semaphore(%arg11 : memref<!tpu.dma_semaphore, #tpu.memory_space<semaphore_mem>>)
      %dma_start3A_39 = arith.constant 0 : i32
      %dma_start3A_40 = tpu.memref_slice %arg6[%dma_start3A_39] : memref<9633792xi32, #tpu.memory_space<hbm>> -> memref<9633792xi32, #tpu.memory_space<hbm>>
      tpu.enqueue_indirect_dma source(%arg9 : memref<10752xi32, #tpu.memory_space<vmem>>) target(%dma_start3A_40 : memref<9633792xi32, #tpu.memory_space<hbm>>) offsets(%arg10 : memref<10752xi32, #tpu.memory_space<vmem>>) semaphore(%arg12 : memref<!tpu.dma_semaphore, #tpu.memory_space<semaphore_mem>>)
      %dma_wait3A = arith.constant 0 : i32
      %dma_wait3A_41 = tpu.memref_slice %arg5[%dma_wait3A] : memref<9633792xf32, #tpu.memory_space<hbm>> -> memref<9633792xf32, #tpu.memory_space<hbm>>
      tpu.wait_indirect_dma semaphore(%arg11 : memref<!tpu.dma_semaphore, #tpu.memory_space<semaphore_mem>>) src(%arg8 : memref<10752xf32, #tpu.memory_space<vmem>>) dst(%dma_wait3A_41 : memref<9633792xf32, #tpu.memory_space<hbm>>)
      %dma_wait3A_42 = arith.constant 0 : i32
      %dma_wait3A_43 = tpu.memref_slice %arg6[%dma_wait3A_42] : memref<9633792xi32, #tpu.memory_space<hbm>> -> memref<9633792xi32, #tpu.memory_space<hbm>>
      tpu.wait_indirect_dma semaphore(%arg12 : memref<!tpu.dma_semaphore, #tpu.memory_space<semaphore_mem>>) src(%arg9 : memref<10752xi32, #tpu.memory_space<vmem>>) dst(%dma_wait3A_43 : memref<9633792xi32, #tpu.memory_space<hbm>>)
    }
    %scan3A_13 = arith.constant 14 : i32
    %mul3A_14 = arith.constant 2 : i32
    %mul3A_15 = arith.muli %add3A, %mul3A_14 : i32
    %add3A_16 = arith.constant 1 : i32
    %add3A_17 = arith.addi %mul3A_15, %add3A_16 : i32
    %mul3A_18 = arith.constant 150528 : i32
    %mul3A_19 = arith.muli %add3A_17, %mul3A_18 : i32
    %mul3A_20 = arith.constant 32768 : i32
    %mul3A_21 = arith.muli %add3A_17, %mul3A_20 : i32
    "tpu.region"() ({
      %run_scoped3A = tpu.sem_alloc : memref<!tpu.dma_semaphore, #tpu.memory_space<semaphore_mem>>
      %dma_start3A = tpu.memref_slice %arg4[%mul3A_21] : memref<2097152xi32, #tpu.memory_space<hbm>> -> memref<32768xi32, #tpu.memory_space<hbm>>
      %dma_start3A_28 = tpu.memref_slice %arg4[%mul3A_21] : memref<2097152xi32, #tpu.memory_space<hbm>> -> memref<32768xi32, #tpu.memory_space<hbm>>
      tpu.enqueue_dma source(%dma_start3A_28 : memref<32768xi32, #tpu.memory_space<hbm>>) target(%arg7 : memref<32768xi32, #tpu.memory_space<vmem>>) target_semaphore(%run_scoped3A : memref<!tpu.dma_semaphore, #tpu.memory_space<semaphore_mem>>)
      %dma_wait3A = tpu.memref_slice %arg4[%mul3A_21] : memref<2097152xi32, #tpu.memory_space<hbm>> -> memref<32768xi32, #tpu.memory_space<hbm>>
      %dma_wait3A_29 = tpu.memref_slice %arg4[%mul3A_21] : memref<2097152xi32, #tpu.memory_space<hbm>> -> memref<32768xi32, #tpu.memory_space<hbm>>
      tpu.wait_dma2 semaphore(%run_scoped3A : memref<!tpu.dma_semaphore, #tpu.memory_space<semaphore_mem>>) src(%dma_wait3A_29 : memref<32768xi32, #tpu.memory_space<hbm>>) dst(%arg7 : memref<32768xi32, #tpu.memory_space<vmem>>)
      tpu.yield
    }) : () -> ()
    %scan3A_22 = arith.constant 0 : i32
    %scan3A_23 = arith.constant 0 : i32
    %scan3A_24 = arith.constant 14 : i32
    %scan3A_25 = arith.addi %scan3A_23, %scan3A_24 : i32
    %scan3A_26 = arith.constant 1 : i32
    scf.for %scan3A_28 = %scan3A_23 to %scan3A_25 step %scan3A_26  : i32 {
      %mul3A_29 = arith.constant 10752 : i32
      %mul3A_30 = arith.muli %scan3A_28, %mul3A_29 : i32
      %add3A_31 = arith.addi %mul3A_19, %mul3A_30 : i32
      "tpu.region"() ({
        %run_scoped3A = tpu.sem_alloc : memref<!tpu.dma_semaphore, #tpu.memory_space<semaphore_mem>>
        %dma_start3A_44 = tpu.memref_slice %arg2[%add3A_31] : memref<9633792xf32, #tpu.memory_space<hbm>> -> memref<10752xf32, #tpu.memory_space<hbm>>
        %dma_start3A_45 = tpu.memref_slice %arg2[%add3A_31] : memref<9633792xf32, #tpu.memory_space<hbm>> -> memref<10752xf32, #tpu.memory_space<hbm>>
        tpu.enqueue_dma source(%dma_start3A_45 : memref<10752xf32, #tpu.memory_space<hbm>>) target(%arg8 : memref<10752xf32, #tpu.memory_space<vmem>>) target_semaphore(%run_scoped3A : memref<!tpu.dma_semaphore, #tpu.memory_space<semaphore_mem>>)
        %dma_wait3A_46 = tpu.memref_slice %arg2[%add3A_31] : memref<9633792xf32, #tpu.memory_space<hbm>> -> memref<10752xf32, #tpu.memory_space<hbm>>
        %dma_wait3A_47 = tpu.memref_slice %arg2[%add3A_31] : memref<9633792xf32, #tpu.memory_space<hbm>> -> memref<10752xf32, #tpu.memory_space<hbm>>
        tpu.wait_dma2 semaphore(%run_scoped3A : memref<!tpu.dma_semaphore, #tpu.memory_space<semaphore_mem>>) src(%dma_wait3A_47 : memref<10752xf32, #tpu.memory_space<hbm>>) dst(%arg8 : memref<10752xf32, #tpu.memory_space<vmem>>)
        tpu.yield
      }) : () -> ()
      "tpu.region"() ({
        %run_scoped3A = tpu.sem_alloc : memref<!tpu.dma_semaphore, #tpu.memory_space<semaphore_mem>>
        %dma_start3A_44 = tpu.memref_slice %arg3[%add3A_31] : memref<9633792xi32, #tpu.memory_space<hbm>> -> memref<10752xi32, #tpu.memory_space<hbm>>
        %dma_start3A_45 = tpu.memref_slice %arg3[%add3A_31] : memref<9633792xi32, #tpu.memory_space<hbm>> -> memref<10752xi32, #tpu.memory_space<hbm>>
        tpu.enqueue_dma source(%dma_start3A_45 : memref<10752xi32, #tpu.memory_space<hbm>>) target(%arg9 : memref<10752xi32, #tpu.memory_space<vmem>>) target_semaphore(%run_scoped3A : memref<!tpu.dma_semaphore, #tpu.memory_space<semaphore_mem>>)
        %dma_wait3A_46 = tpu.memref_slice %arg3[%add3A_31] : memref<9633792xi32, #tpu.memory_space<hbm>> -> memref<10752xi32, #tpu.memory_space<hbm>>
        %dma_wait3A_47 = tpu.memref_slice %arg3[%add3A_31] : memref<9633792xi32, #tpu.memory_space<hbm>> -> memref<10752xi32, #tpu.memory_space<hbm>>
        tpu.wait_dma2 semaphore(%run_scoped3A : memref<!tpu.dma_semaphore, #tpu.memory_space<semaphore_mem>>) src(%dma_wait3A_47 : memref<10752xi32, #tpu.memory_space<hbm>>) dst(%arg9 : memref<10752xi32, #tpu.memory_space<vmem>>)
        tpu.yield
      }) : () -> ()
      %scan3A_32 = arith.constant 0 : i32
      %scan3A_33 = arith.constant 0 : i32
      %scan3A_34 = arith.constant 672 : i32
      %scan3A_35 = arith.addi %scan3A_33, %scan3A_34 : i32
      %scan3A_36 = arith.constant 1 : i32
      scf.for %scan3A_44 = %scan3A_33 to %scan3A_35 step %scan3A_36  : i32 {
        %mul3A_45 = arith.constant 16 : i32
        %mul3A_46 = arith.muli %scan3A_44, %mul3A_45 : i32
        %get3A = arith.index_cast %mul3A_46 : i32 to index
        %get3A_47 = tpu.vector_load %arg8[%get3A] {strides = array<i32>} : memref<10752xf32, #tpu.memory_space<vmem>>, vector<16xf32>,
        %bitcast_convert_type3A = tpu.bitcast %get3A_47 : vector<16xf32> -> vector<16xi32>
        %shift_right_logical3A = arith.constant 15 : i32
        %shift_right_logical3A_48 = vector.broadcast %shift_right_logical3A : i32 to vector<16xi32>
        %shift_right_logical3A_49 = arith.shrui %bitcast_convert_type3A, %shift_right_logical3A_48 : vector<16xi32>
        %broadcast_in_dim3A = arith.constant true
        %broadcast_in_dim3A_50 = vector.broadcast %broadcast_in_dim3A : i1 to vector<16xi1>
        %unique3A, %unique3A_51 = tpu.scan_count mask(%broadcast_in_dim3A_50 : vector<16xi1>) value(%shift_right_logical3A_49 : vector<16xi32>) : vector<16xi1>, vector<16xi32>
        %gather3A = tpu.vector_load_idx %arg7[%shift_right_logical3A_49] : memref<32768xi32, #tpu.memory_space<vmem>>[vector<16xi32>], vector<16xi32>,
        %add3A_52 = arith.addi %gather3A, %unique3A_51 : vector<16xi32>
        %sub3A = arith.constant 1 : i32
        %sub3A_53 = vector.broadcast %sub3A : i32 to vector<16xi32>
        %sub3A_54 = arith.subi %add3A_52, %sub3A_53 : vector<16xi32>
        %mul3A_55 = arith.constant 16 : i32
        %mul3A_56 = arith.muli %scan3A_44, %mul3A_55 : i32
        %swap3A = arith.index_cast %mul3A_56 : i32 to index
        %swap3A_57 = tpu.vector_load %arg10[%swap3A] {strides = array<i32>} : memref<10752xi32, #tpu.memory_space<vmem>>, vector<16xi32>,
        tpu.vector_store %arg10[%swap3A], %sub3A_54 {strides = array<i32>} : memref<10752xi32, #tpu.memory_space<vmem>>, vector<16xi32>,
        tpu.vector_store_idx %arg7[%shift_right_logical3A_49], %unique3A_51 masked %unique3A {add = true} : memref<32768xi32, #tpu.memory_space<vmem>>[vector<16xi32>], vector<16xi32>, vector<16xi1>
      }
      %scan3A_37 = arith.constant 672 : i32
      %dma_start3A = arith.constant 0 : i32
      %dma_start3A_38 = tpu.memref_slice %arg5[%dma_start3A] : memref<9633792xf32, #tpu.memory_space<hbm>> -> memref<9633792xf32, #tpu.memory_space<hbm>>
      tpu.enqueue_indirect_dma source(%arg8 : memref<10752xf32, #tpu.memory_space<vmem>>) target(%dma_start3A_38 : memref<9633792xf32, #tpu.memory_space<hbm>>) offsets(%arg10 : memref<10752xi32, #tpu.memory_space<vmem>>) semaphore(%arg11 : memref<!tpu.dma_semaphore, #tpu.memory_space<semaphore_mem>>)
      %dma_start3A_39 = arith.constant 0 : i32
      %dma_start3A_40 = tpu.memref_slice %arg6[%dma_start3A_39] : memref<9633792xi32, #tpu.memory_space<hbm>> -> memref<9633792xi32, #tpu.memory_space<hbm>>
      tpu.enqueue_indirect_dma source(%arg9 : memref<10752xi32, #tpu.memory_space<vmem>>) target(%dma_start3A_40 : memref<9633792xi32, #tpu.memory_space<hbm>>) offsets(%arg10 : memref<10752xi32, #tpu.memory_space<vmem>>) semaphore(%arg12 : memref<!tpu.dma_semaphore, #tpu.memory_space<semaphore_mem>>)
      %dma_wait3A = arith.constant 0 : i32
      %dma_wait3A_41 = tpu.memref_slice %arg5[%dma_wait3A] : memref<9633792xf32, #tpu.memory_space<hbm>> -> memref<9633792xf32, #tpu.memory_space<hbm>>
      tpu.wait_indirect_dma semaphore(%arg11 : memref<!tpu.dma_semaphore, #tpu.memory_space<semaphore_mem>>) src(%arg8 : memref<10752xf32, #tpu.memory_space<vmem>>) dst(%dma_wait3A_41 : memref<9633792xf32, #tpu.memory_space<hbm>>)
      %dma_wait3A_42 = arith.constant 0 : i32
      %dma_wait3A_43 = tpu.memref_slice %arg6[%dma_wait3A_42] : memref<9633792xi32, #tpu.memory_space<hbm>> -> memref<9633792xi32, #tpu.memory_space<hbm>>
      tpu.wait_indirect_dma semaphore(%arg12 : memref<!tpu.dma_semaphore, #tpu.memory_space<semaphore_mem>>) src(%arg9 : memref<10752xi32, #tpu.memory_space<vmem>>) dst(%dma_wait3A_43 : memref<9633792xi32, #tpu.memory_space<hbm>>)
    }
    %scan3A_27 = arith.constant 14 : i32
    return
  }
}

#map = affine_map<(d0, d1) -> (0)>
module attributes {stable_mosaic.version = 14 : i64} {
  func.func @_sort_body(%arg0: i32, %arg1: i32, %arg2: memref<9633792xf32, #tpu.memory_space<hbm>>, %arg3: memref<1024xf32, #tpu.memory_space<hbm>>, %arg4: memref<9633792xf32, #tpu.memory_space<hbm>>, %arg5: memref<9633792xi32, #tpu.memory_space<hbm>>, %arg6: memref<2097152xi32, #tpu.memory_space<hbm>>, %arg7: memref<32768xi32, #tpu.memory_space<vmem>>, %arg8: memref<32768xi32, #tpu.memory_space<vmem>>, %arg9: memref<10752xf32, #tpu.memory_space<vmem>>, %arg10: memref<10752xf32, #tpu.memory_space<vmem>>, %arg11: memref<10752xi32, #tpu.memory_space<vmem>>, %arg12: memref<10752xi32, #tpu.memory_space<vmem>>, %arg13: memref<16xf32, #tpu.memory_space<vmem>>, %arg14: memref<!tpu.dma_semaphore, #tpu.memory_space<semaphore_mem>>, %arg15: memref<!tpu.dma_semaphore, #tpu.memory_space<semaphore_mem>>) attributes {dimension_semantics = [#tpu.dimension_semantics<core_parallel>, #tpu.dimension_semantics<subcore_parallel>], iteration_bounds = array<i64: 2, 16>, scalar_prefetch = 0 : i64, scratch_operands = 9 : i64, tpu.core_type = #tpu.core_type<sc_vector_subcore>, window_params = [{transform_indices = #map}, {transform_indices = #map}, {transform_indices = #map}, {transform_indices = #map}, {transform_indices = #map}]} {
    %mul3A = arith.constant 16 : i32
    %mul3A_0 = arith.muli %arg0, %mul3A : i32
    %add3A = arith.addi %mul3A_0, %arg1 : i32
    %iota3A = tpu.iota {dimensions = array<i32: 0>} : vector<16xi32>
    %mul3A_1 = arith.constant 2 : i32
    %mul3A_2 = arith.muli %add3A, %mul3A_1 : i32
    %add3A_3 = arith.constant 0 : i32
    %add3A_4 = arith.addi %mul3A_2, %add3A_3 : i32
    %mul3A_5 = arith.constant 150528 : i32
    %mul3A_6 = arith.muli %add3A_4, %mul3A_5 : i32
    %scan3A = arith.constant 0 : i32
    %scan3A_7 = arith.constant 0 : i32
    %scan3A_8 = arith.constant 2048 : i32
    %scan3A_9 = arith.addi %scan3A_7, %scan3A_8 : i32
    %scan3A_10 = arith.constant 1 : i32
    scf.for %scan3A_90 = %scan3A_7 to %scan3A_9 step %scan3A_10  : i32 {
      %broadcast_in_dim3A_91 = arith.constant 0 : i32
      %broadcast_in_dim3A_92 = vector.broadcast %broadcast_in_dim3A_91 : i32 to vector<16xi32>
      %mul3A_93 = arith.constant 16 : i32
      %mul3A_94 = arith.muli %scan3A_90, %mul3A_93 : i32
      %swap3A_95 = arith.index_cast %mul3A_94 : i32 to index
      %swap3A_96 = tpu.vector_load %arg7[%swap3A_95] {strides = array<i32>} : memref<32768xi32, #tpu.memory_space<vmem>>, vector<16xi32>,
      tpu.vector_store %arg7[%swap3A_95], %broadcast_in_dim3A_92 {strides = array<i32>} : memref<32768xi32, #tpu.memory_space<vmem>>, vector<16xi32>,
      %mul3A_97 = arith.constant 16 : i32
      %mul3A_98 = arith.muli %scan3A_90, %mul3A_97 : i32
      %swap3A_99 = arith.index_cast %mul3A_98 : i32 to index
      %swap3A_100 = tpu.vector_load %arg8[%swap3A_99] {strides = array<i32>} : memref<32768xi32, #tpu.memory_space<vmem>>, vector<16xi32>,
      tpu.vector_store %arg8[%swap3A_99], %broadcast_in_dim3A_92 {strides = array<i32>} : memref<32768xi32, #tpu.memory_space<vmem>>, vector<16xi32>,
    }
    %scan3A_11 = arith.constant 2048 : i32
    %broadcast_in_dim3A = arith.constant 0.000000e+00 : f32
    %broadcast_in_dim3A_12 = vector.broadcast %broadcast_in_dim3A : f32 to vector<16xf32>
    %scan3A_13 = arith.constant 0 : i32
    %scan3A_14 = arith.constant 14 : i32
    %scan3A_15 = arith.addi %scan3A_13, %scan3A_14 : i32
    %scan3A_16 = arith.constant 1 : i32
    %scan3A_17 = scf.for %scan3A_90 = %scan3A_13 to %scan3A_15 step %scan3A_16 iter_args(%scan3A_91 = %broadcast_in_dim3A_12) -> (vector<16xf32>)  : i32 {
      %mul3A_92 = arith.constant 10752 : i32
      %mul3A_93 = arith.muli %scan3A_90, %mul3A_92 : i32
      %add3A_94 = arith.addi %mul3A_6, %mul3A_93 : i32
      "tpu.region"() ({
        %run_scoped3A = tpu.sem_alloc : memref<!tpu.dma_semaphore, #tpu.memory_space<semaphore_mem>>
        %dma_start3A = tpu.memref_slice %arg2[%add3A_94] : memref<9633792xf32, #tpu.memory_space<hbm>> -> memref<10752xf32, #tpu.memory_space<hbm>>
        %dma_start3A_101 = tpu.memref_slice %arg2[%add3A_94] : memref<9633792xf32, #tpu.memory_space<hbm>> -> memref<10752xf32, #tpu.memory_space<hbm>>
        tpu.enqueue_dma source(%dma_start3A_101 : memref<10752xf32, #tpu.memory_space<hbm>>) target(%arg9 : memref<10752xf32, #tpu.memory_space<vmem>>) target_semaphore(%run_scoped3A : memref<!tpu.dma_semaphore, #tpu.memory_space<semaphore_mem>>)
        %dma_wait3A = tpu.memref_slice %arg2[%add3A_94] : memref<9633792xf32, #tpu.memory_space<hbm>> -> memref<10752xf32, #tpu.memory_space<hbm>>
        %dma_wait3A_102 = tpu.memref_slice %arg2[%add3A_94] : memref<9633792xf32, #tpu.memory_space<hbm>> -> memref<10752xf32, #tpu.memory_space<hbm>>
        tpu.wait_dma2 semaphore(%run_scoped3A : memref<!tpu.dma_semaphore, #tpu.memory_space<semaphore_mem>>) src(%dma_wait3A_102 : memref<10752xf32, #tpu.memory_space<hbm>>) dst(%arg9 : memref<10752xf32, #tpu.memory_space<vmem>>)
        tpu.yield
      }) : () -> ()
      %scan3A_95 = arith.constant 0 : i32
      %scan3A_96 = arith.constant 672 : i32
      %scan3A_97 = arith.addi %scan3A_95, %scan3A_96 : i32
      %scan3A_98 = arith.constant 1 : i32
      %scan3A_99 = scf.for %scan3A_101 = %scan3A_95 to %scan3A_97 step %scan3A_98 iter_args(%scan3A_102 = %scan3A_91) -> (vector<16xf32>)  : i32 {
        %mul3A_103 = arith.constant 16 : i32
        %mul3A_104 = arith.muli %scan3A_101, %mul3A_103 : i32
        %get3A = arith.index_cast %mul3A_104 : i32 to index
        %get3A_105 = tpu.vector_load %arg9[%get3A] {strides = array<i32>} : memref<10752xf32, #tpu.memory_space<vmem>>, vector<16xf32>,
        %add3A_106 = arith.constant 5.000000e-01 : f32
        %add3A_107 = vector.broadcast %add3A_106 : f32 to vector<16xf32>
        %add3A_108 = arith.addf %get3A_105, %add3A_107 : vector<16xf32>
        %bitcast_convert_type3A = tpu.bitcast %add3A_108 : vector<16xf32> -> vector<16xi32>
        %and3A = arith.constant 32767 : i32
        %and3A_109 = vector.broadcast %and3A : i32 to vector<16xi32>
        %and3A_110 = arith.andi %bitcast_convert_type3A, %and3A_109 : vector<16xi32>
        %shift_right_logical3A = arith.constant 15 : i32
        %shift_right_logical3A_111 = vector.broadcast %shift_right_logical3A : i32 to vector<16xi32>
        %shift_right_logical3A_112 = arith.shrui %bitcast_convert_type3A, %shift_right_logical3A_111 : vector<16xi32>
        %broadcast_in_dim3A_113 = arith.constant true
        %broadcast_in_dim3A_114 = vector.broadcast %broadcast_in_dim3A_113 : i1 to vector<16xi1>
        %unique3A, %unique3A_115 = tpu.scan_count mask(%broadcast_in_dim3A_114 : vector<16xi1>) value(%and3A_110 : vector<16xi32>) : vector<16xi1>, vector<16xi32>
        tpu.vector_store_idx %arg7[%and3A_110], %unique3A_115 masked %unique3A {add = true} : memref<32768xi32, #tpu.memory_space<vmem>>[vector<16xi32>], vector<16xi32>, vector<16xi1>
        %broadcast_in_dim3A_116 = arith.constant true
        %broadcast_in_dim3A_117 = vector.broadcast %broadcast_in_dim3A_116 : i1 to vector<16xi1>
        %unique3A_118, %unique3A_119 = tpu.scan_count mask(%broadcast_in_dim3A_117 : vector<16xi1>) value(%shift_right_logical3A_112 : vector<16xi32>) : vector<16xi1>, vector<16xi32>
        tpu.vector_store_idx %arg8[%shift_right_logical3A_112], %unique3A_119 masked %unique3A_118 {add = true} : memref<32768xi32, #tpu.memory_space<vmem>>[vector<16xi32>], vector<16xi32>, vector<16xi1>
        %add3A_120 = arith.addf %scan3A_102, %add3A_108 : vector<16xf32>
        scf.yield %add3A_120 : vector<16xf32>
      }
      %scan3A_100 = arith.constant 672 : i32
      scf.yield %scan3A_99 : vector<16xf32>
    }
    %scan3A_18 = arith.constant 14 : i32
    %swap3A = arith.constant 0 : index
    %swap3A_19 = tpu.vector_load %arg13[%swap3A] {strides = array<i32>} : memref<16xf32, #tpu.memory_space<vmem>>, vector<16xf32>,
    tpu.vector_store %arg13[%swap3A], %scan3A_17 {strides = array<i32>} : memref<16xf32, #tpu.memory_space<vmem>>, vector<16xf32>,
    %mul3A_20 = arith.constant 16 : i32
    %mul3A_21 = arith.muli %add3A_4, %mul3A_20 : i32
    "tpu.region"() ({
      %run_scoped3A = tpu.sem_alloc : memref<!tpu.dma_semaphore, #tpu.memory_space<semaphore_mem>>
      %dma_start3A = tpu.memref_slice %arg3[%mul3A_21] : memref<1024xf32, #tpu.memory_space<hbm>> -> memref<16xf32, #tpu.memory_space<hbm>>
      %dma_start3A_90 = tpu.memref_slice %arg3[%mul3A_21] : memref<1024xf32, #tpu.memory_space<hbm>> -> memref<16xf32, #tpu.memory_space<hbm>>
      tpu.enqueue_dma source(%arg13 : memref<16xf32, #tpu.memory_space<vmem>>) target(%dma_start3A_90 : memref<16xf32, #tpu.memory_space<hbm>>) target_semaphore(%run_scoped3A : memref<!tpu.dma_semaphore, #tpu.memory_space<semaphore_mem>>)
      %dma_wait3A = tpu.memref_slice %arg3[%mul3A_21] : memref<1024xf32, #tpu.memory_space<hbm>> -> memref<16xf32, #tpu.memory_space<hbm>>
      %dma_wait3A_91 = tpu.memref_slice %arg3[%mul3A_21] : memref<1024xf32, #tpu.memory_space<hbm>> -> memref<16xf32, #tpu.memory_space<hbm>>
      tpu.wait_dma2 semaphore(%run_scoped3A : memref<!tpu.dma_semaphore, #tpu.memory_space<semaphore_mem>>) src(%arg13 : memref<16xf32, #tpu.memory_space<vmem>>) dst(%dma_wait3A_91 : memref<16xf32, #tpu.memory_space<hbm>>)
      tpu.yield
    }) : () -> ()
    %broadcast_in_dim3A_22 = vector.broadcast %mul3A_6 : i32 to vector<16xi32>
    %scan3A_23 = arith.constant 0 : i32
    %scan3A_24 = arith.constant 2048 : i32
    %scan3A_25 = arith.addi %scan3A_23, %scan3A_24 : i32
    %scan3A_26 = arith.constant 1 : i32
    %scan3A_27 = scf.for %scan3A_90 = %scan3A_23 to %scan3A_25 step %scan3A_26 iter_args(%scan3A_91 = %broadcast_in_dim3A_22) -> (vector<16xi32>)  : i32 {
      %mul3A_92 = arith.constant 16 : i32
      %mul3A_93 = arith.muli %scan3A_90, %mul3A_92 : i32
      %get3A = arith.index_cast %mul3A_93 : i32 to index
      %get3A_94 = tpu.vector_load %arg7[%get3A] {strides = array<i32>} : memref<32768xi32, #tpu.memory_space<vmem>>, vector<16xi32>,
      %broadcast_in_dim3A_95 = arith.constant true
      %broadcast_in_dim3A_96 = vector.broadcast %broadcast_in_dim3A_95 : i1 to vector<16xi1>
      %masked_cumsum3A = tpu.scan <sum>, %get3A_94 masked %broadcast_in_dim3A_96 : vector<16xi32>, vector<16xi1> -> vector<16xi32>
      %sub3A = arith.subi %masked_cumsum3A, %get3A_94 : vector<16xi32>
      %add3A_97 = arith.addi %scan3A_91, %sub3A : vector<16xi32>
      %mul3A_98 = arith.constant 16 : i32
      %mul3A_99 = arith.muli %scan3A_90, %mul3A_98 : i32
      %swap3A_100 = arith.index_cast %mul3A_99 : i32 to index
      %swap3A_101 = tpu.vector_load %arg7[%swap3A_100] {strides = array<i32>} : memref<32768xi32, #tpu.memory_space<vmem>>, vector<16xi32>,
      tpu.vector_store %arg7[%swap3A_100], %add3A_97 {strides = array<i32>} : memref<32768xi32, #tpu.memory_space<vmem>>, vector<16xi32>,
      %reduce_sum3A = arith.constant true
      %reduce_sum3A_102 = vector.broadcast %reduce_sum3A : i1 to vector<16xi1>
      %reduce_sum3A_103 = tpu.scan <sum>, %get3A_94 masked %reduce_sum3A_102 : vector<16xi32>, vector<16xi1> -> vector<16xi32>
      %reduce_sum3A_104 = vector.extract %reduce_sum3A_103[15] : i32 from vector<16xi32>
      %add3A_105 = vector.broadcast %reduce_sum3A_104 : i32 to vector<16xi32>
      %add3A_106 = arith.addi %scan3A_91, %add3A_105 : vector<16xi32>
      scf.yield %add3A_106 : vector<16xi32>
    }
    %scan3A_28 = arith.constant 2048 : i32
    %broadcast_in_dim3A_29 = vector.broadcast %mul3A_6 : i32 to vector<16xi32>
    %scan3A_30 = arith.constant 0 : i32
    %scan3A_31 = arith.constant 2048 : i32
    %scan3A_32 = arith.addi %scan3A_30, %scan3A_31 : i32
    %scan3A_33 = arith.constant 1 : i32
    %scan3A_34 = scf.for %scan3A_90 = %scan3A_30 to %scan3A_32 step %scan3A_33 iter_args(%scan3A_91 = %broadcast_in_dim3A_29) -> (vector<16xi32>)  : i32 {
      %mul3A_92 = arith.constant 16 : i32
      %mul3A_93 = arith.muli %scan3A_90, %mul3A_92 : i32
      %get3A = arith.index_cast %mul3A_93 : i32 to index
      %get3A_94 = tpu.vector_load %arg8[%get3A] {strides = array<i32>} : memref<32768xi32, #tpu.memory_space<vmem>>, vector<16xi32>,
      %broadcast_in_dim3A_95 = arith.constant true
      %broadcast_in_dim3A_96 = vector.broadcast %broadcast_in_dim3A_95 : i1 to vector<16xi1>
      %masked_cumsum3A = tpu.scan <sum>, %get3A_94 masked %broadcast_in_dim3A_96 : vector<16xi32>, vector<16xi1> -> vector<16xi32>
      %sub3A = arith.subi %masked_cumsum3A, %get3A_94 : vector<16xi32>
      %add3A_97 = arith.addi %scan3A_91, %sub3A : vector<16xi32>
      %mul3A_98 = arith.constant 16 : i32
      %mul3A_99 = arith.muli %scan3A_90, %mul3A_98 : i32
      %swap3A_100 = arith.index_cast %mul3A_99 : i32 to index
      %swap3A_101 = tpu.vector_load %arg8[%swap3A_100] {strides = array<i32>} : memref<32768xi32, #tpu.memory_space<vmem>>, vector<16xi32>,
      tpu.vector_store %arg8[%swap3A_100], %add3A_97 {strides = array<i32>} : memref<32768xi32, #tpu.memory_space<vmem>>, vector<16xi32>,
      %reduce_sum3A = arith.constant true
      %reduce_sum3A_102 = vector.broadcast %reduce_sum3A : i1 to vector<16xi1>
      %reduce_sum3A_103 = tpu.scan <sum>, %get3A_94 masked %reduce_sum3A_102 : vector<16xi32>, vector<16xi1> -> vector<16xi32>
      %reduce_sum3A_104 = vector.extract %reduce_sum3A_103[15] : i32 from vector<16xi32>
      %add3A_105 = vector.broadcast %reduce_sum3A_104 : i32 to vector<16xi32>
      %add3A_106 = arith.addi %scan3A_91, %add3A_105 : vector<16xi32>
      scf.yield %add3A_106 : vector<16xi32>
    }
    %scan3A_35 = arith.constant 2048 : i32
    %mul3A_36 = arith.constant 32768 : i32
    %mul3A_37 = arith.muli %add3A_4, %mul3A_36 : i32
    "tpu.region"() ({
      %run_scoped3A = tpu.sem_alloc : memref<!tpu.dma_semaphore, #tpu.memory_space<semaphore_mem>>
      %dma_start3A = tpu.memref_slice %arg6[%mul3A_37] : memref<2097152xi32, #tpu.memory_space<hbm>> -> memref<32768xi32, #tpu.memory_space<hbm>>
      %dma_start3A_90 = tpu.memref_slice %arg6[%mul3A_37] : memref<2097152xi32, #tpu.memory_space<hbm>> -> memref<32768xi32, #tpu.memory_space<hbm>>
      tpu.enqueue_dma source(%arg8 : memref<32768xi32, #tpu.memory_space<vmem>>) target(%dma_start3A_90 : memref<32768xi32, #tpu.memory_space<hbm>>) target_semaphore(%run_scoped3A : memref<!tpu.dma_semaphore, #tpu.memory_space<semaphore_mem>>)
      %dma_wait3A = tpu.memref_slice %arg6[%mul3A_37] : memref<2097152xi32, #tpu.memory_space<hbm>> -> memref<32768xi32, #tpu.memory_space<hbm>>
      %dma_wait3A_91 = tpu.memref_slice %arg6[%mul3A_37] : memref<2097152xi32, #tpu.memory_space<hbm>> -> memref<32768xi32, #tpu.memory_space<hbm>>
      tpu.wait_dma2 semaphore(%run_scoped3A : memref<!tpu.dma_semaphore, #tpu.memory_space<semaphore_mem>>) src(%arg8 : memref<32768xi32, #tpu.memory_space<vmem>>) dst(%dma_wait3A_91 : memref<32768xi32, #tpu.memory_space<hbm>>)
      tpu.yield
    }) : () -> ()
    %scan3A_38 = arith.constant 0 : i32
    %scan3A_39 = arith.constant 0 : i32
    %scan3A_40 = arith.constant 14 : i32
    %scan3A_41 = arith.addi %scan3A_39, %scan3A_40 : i32
    %scan3A_42 = arith.constant 1 : i32
    scf.for %scan3A_90 = %scan3A_39 to %scan3A_41 step %scan3A_42  : i32 {
      %mul3A_91 = arith.constant 10752 : i32
      %mul3A_92 = arith.muli %scan3A_90, %mul3A_91 : i32
      %add3A_93 = arith.addi %mul3A_6, %mul3A_92 : i32
      "tpu.region"() ({
        %run_scoped3A = tpu.sem_alloc : memref<!tpu.dma_semaphore, #tpu.memory_space<semaphore_mem>>
        %dma_start3A_106 = tpu.memref_slice %arg2[%add3A_93] : memref<9633792xf32, #tpu.memory_space<hbm>> -> memref<10752xf32, #tpu.memory_space<hbm>>
        %dma_start3A_107 = tpu.memref_slice %arg2[%add3A_93] : memref<9633792xf32, #tpu.memory_space<hbm>> -> memref<10752xf32, #tpu.memory_space<hbm>>
        tpu.enqueue_dma source(%dma_start3A_107 : memref<10752xf32, #tpu.memory_space<hbm>>) target(%arg9 : memref<10752xf32, #tpu.memory_space<vmem>>) target_semaphore(%run_scoped3A : memref<!tpu.dma_semaphore, #tpu.memory_space<semaphore_mem>>)
        %dma_wait3A_108 = tpu.memref_slice %arg2[%add3A_93] : memref<9633792xf32, #tpu.memory_space<hbm>> -> memref<10752xf32, #tpu.memory_space<hbm>>
        %dma_wait3A_109 = tpu.memref_slice %arg2[%add3A_93] : memref<9633792xf32, #tpu.memory_space<hbm>> -> memref<10752xf32, #tpu.memory_space<hbm>>
        tpu.wait_dma2 semaphore(%run_scoped3A : memref<!tpu.dma_semaphore, #tpu.memory_space<semaphore_mem>>) src(%dma_wait3A_109 : memref<10752xf32, #tpu.memory_space<hbm>>) dst(%arg9 : memref<10752xf32, #tpu.memory_space<vmem>>)
        tpu.yield
      }) : () -> ()
      %scan3A_94 = arith.constant 0 : i32
      %scan3A_95 = arith.constant 0 : i32
      %scan3A_96 = arith.constant 672 : i32
      %scan3A_97 = arith.addi %scan3A_95, %scan3A_96 : i32
      %scan3A_98 = arith.constant 1 : i32
      scf.for %scan3A_106 = %scan3A_95 to %scan3A_97 step %scan3A_98  : i32 {
        %mul3A_107 = arith.constant 16 : i32
        %mul3A_108 = arith.muli %scan3A_106, %mul3A_107 : i32
        %get3A = arith.index_cast %mul3A_108 : i32 to index
        %get3A_109 = tpu.vector_load %arg9[%get3A] {strides = array<i32>} : memref<10752xf32, #tpu.memory_space<vmem>>, vector<16xf32>,
        %add3A_110 = arith.constant 5.000000e-01 : f32
        %add3A_111 = vector.broadcast %add3A_110 : f32 to vector<16xf32>
        %add3A_112 = arith.addf %get3A_109, %add3A_111 : vector<16xf32>
        %bitcast_convert_type3A = tpu.bitcast %add3A_112 : vector<16xf32> -> vector<16xi32>
        %and3A = arith.constant 32767 : i32
        %and3A_113 = vector.broadcast %and3A : i32 to vector<16xi32>
        %and3A_114 = arith.andi %bitcast_convert_type3A, %and3A_113 : vector<16xi32>
        %broadcast_in_dim3A_115 = arith.constant true
        %broadcast_in_dim3A_116 = vector.broadcast %broadcast_in_dim3A_115 : i1 to vector<16xi1>
        %unique3A, %unique3A_117 = tpu.scan_count mask(%broadcast_in_dim3A_116 : vector<16xi1>) value(%and3A_114 : vector<16xi32>) : vector<16xi1>, vector<16xi32>
        %gather3A = tpu.vector_load_idx %arg7[%and3A_114] : memref<32768xi32, #tpu.memory_space<vmem>>[vector<16xi32>], vector<16xi32>,
        %add3A_118 = arith.addi %gather3A, %unique3A_117 : vector<16xi32>
        %sub3A = arith.constant 1 : i32
        %sub3A_119 = vector.broadcast %sub3A : i32 to vector<16xi32>
        %sub3A_120 = arith.subi %add3A_118, %sub3A_119 : vector<16xi32>
        %mul3A_121 = arith.constant 16 : i32
        %mul3A_122 = arith.muli %scan3A_106, %mul3A_121 : i32
        %swap3A_123 = arith.index_cast %mul3A_122 : i32 to index
        %swap3A_124 = tpu.vector_load %arg12[%swap3A_123] {strides = array<i32>} : memref<10752xi32, #tpu.memory_space<vmem>>, vector<16xi32>,
        tpu.vector_store %arg12[%swap3A_123], %sub3A_120 {strides = array<i32>} : memref<10752xi32, #tpu.memory_space<vmem>>, vector<16xi32>,
        %mul3A_125 = arith.constant 16 : i32
        %mul3A_126 = arith.muli %scan3A_106, %mul3A_125 : i32
        %swap3A_127 = arith.index_cast %mul3A_126 : i32 to index
        %swap3A_128 = tpu.vector_load %arg10[%swap3A_127] {strides = array<i32>} : memref<10752xf32, #tpu.memory_space<vmem>>, vector<16xf32>,
        tpu.vector_store %arg10[%swap3A_127], %add3A_112 {strides = array<i32>} : memref<10752xf32, #tpu.memory_space<vmem>>, vector<16xf32>,
        %mul3A_129 = arith.constant 16 : i32
        %mul3A_130 = arith.muli %scan3A_106, %mul3A_129 : i32
        %add3A_131 = arith.addi %add3A_93, %mul3A_130 : i32
        %add3A_132 = vector.broadcast %add3A_131 : i32 to vector<16xi32>
        %add3A_133 = arith.addi %add3A_132, %iota3A : vector<16xi32>
        %mul3A_134 = arith.constant 16 : i32
        %mul3A_135 = arith.muli %scan3A_106, %mul3A_134 : i32
        %swap3A_136 = arith.index_cast %mul3A_135 : i32 to index
        %swap3A_137 = tpu.vector_load %arg11[%swap3A_136] {strides = array<i32>} : memref<10752xi32, #tpu.memory_space<vmem>>, vector<16xi32>,
        tpu.vector_store %arg11[%swap3A_136], %add3A_133 {strides = array<i32>} : memref<10752xi32, #tpu.memory_space<vmem>>, vector<16xi32>,
        tpu.vector_store_idx %arg7[%and3A_114], %unique3A_117 masked %unique3A {add = true} : memref<32768xi32, #tpu.memory_space<vmem>>[vector<16xi32>], vector<16xi32>, vector<16xi1>
      }
      %scan3A_99 = arith.constant 672 : i32
      %dma_start3A = arith.constant 0 : i32
      %dma_start3A_100 = tpu.memref_slice %arg4[%dma_start3A] : memref<9633792xf32, #tpu.memory_space<hbm>> -> memref<9633792xf32, #tpu.memory_space<hbm>>
      tpu.enqueue_indirect_dma source(%arg10 : memref<10752xf32, #tpu.memory_space<vmem>>) target(%dma_start3A_100 : memref<9633792xf32, #tpu.memory_space<hbm>>) offsets(%arg12 : memref<10752xi32, #tpu.memory_space<vmem>>) semaphore(%arg14 : memref<!tpu.dma_semaphore, #tpu.memory_space<semaphore_mem>>)
      %dma_start3A_101 = arith.constant 0 : i32
      %dma_start3A_102 = tpu.memref_slice %arg5[%dma_start3A_101] : memref<9633792xi32, #tpu.memory_space<hbm>> -> memref<9633792xi32, #tpu.memory_space<hbm>>
      tpu.enqueue_indirect_dma source(%arg11 : memref<10752xi32, #tpu.memory_space<vmem>>) target(%dma_start3A_102 : memref<9633792xi32, #tpu.memory_space<hbm>>) offsets(%arg12 : memref<10752xi32, #tpu.memory_space<vmem>>) semaphore(%arg15 : memref<!tpu.dma_semaphore, #tpu.memory_space<semaphore_mem>>)
      %dma_wait3A = arith.constant 0 : i32
      %dma_wait3A_103 = tpu.memref_slice %arg4[%dma_wait3A] : memref<9633792xf32, #tpu.memory_space<hbm>> -> memref<9633792xf32, #tpu.memory_space<hbm>>
      tpu.wait_indirect_dma semaphore(%arg14 : memref<!tpu.dma_semaphore, #tpu.memory_space<semaphore_mem>>) src(%arg10 : memref<10752xf32, #tpu.memory_space<vmem>>) dst(%dma_wait3A_103 : memref<9633792xf32, #tpu.memory_space<hbm>>)
      %dma_wait3A_104 = arith.constant 0 : i32
      %dma_wait3A_105 = tpu.memref_slice %arg5[%dma_wait3A_104] : memref<9633792xi32, #tpu.memory_space<hbm>> -> memref<9633792xi32, #tpu.memory_space<hbm>>
      tpu.wait_indirect_dma semaphore(%arg15 : memref<!tpu.dma_semaphore, #tpu.memory_space<semaphore_mem>>) src(%arg11 : memref<10752xi32, #tpu.memory_space<vmem>>) dst(%dma_wait3A_105 : memref<9633792xi32, #tpu.memory_space<hbm>>)
    }
    %scan3A_43 = arith.constant 14 : i32
    %mul3A_44 = arith.constant 2 : i32
    %mul3A_45 = arith.muli %add3A, %mul3A_44 : i32
    %add3A_46 = arith.constant 1 : i32
    %add3A_47 = arith.addi %mul3A_45, %add3A_46 : i32
    %mul3A_48 = arith.constant 150528 : i32
    %mul3A_49 = arith.muli %add3A_47, %mul3A_48 : i32
    %scan3A_50 = arith.constant 0 : i32
    %scan3A_51 = arith.constant 0 : i32
    %scan3A_52 = arith.constant 2048 : i32
    %scan3A_53 = arith.addi %scan3A_51, %scan3A_52 : i32
    %scan3A_54 = arith.constant 1 : i32
    scf.for %scan3A_90 = %scan3A_51 to %scan3A_53 step %scan3A_54  : i32 {
      %broadcast_in_dim3A_91 = arith.constant 0 : i32
      %broadcast_in_dim3A_92 = vector.broadcast %broadcast_in_dim3A_91 : i32 to vector<16xi32>
      %mul3A_93 = arith.constant 16 : i32
      %mul3A_94 = arith.muli %scan3A_90, %mul3A_93 : i32
      %swap3A_95 = arith.index_cast %mul3A_94 : i32 to index
      %swap3A_96 = tpu.vector_load %arg7[%swap3A_95] {strides = array<i32>} : memref<32768xi32, #tpu.memory_space<vmem>>, vector<16xi32>,
      tpu.vector_store %arg7[%swap3A_95], %broadcast_in_dim3A_92 {strides = array<i32>} : memref<32768xi32, #tpu.memory_space<vmem>>, vector<16xi32>,
      %mul3A_97 = arith.constant 16 : i32
      %mul3A_98 = arith.muli %scan3A_90, %mul3A_97 : i32
      %swap3A_99 = arith.index_cast %mul3A_98 : i32 to index
      %swap3A_100 = tpu.vector_load %arg8[%swap3A_99] {strides = array<i32>} : memref<32768xi32, #tpu.memory_space<vmem>>, vector<16xi32>,
      tpu.vector_store %arg8[%swap3A_99], %broadcast_in_dim3A_92 {strides = array<i32>} : memref<32768xi32, #tpu.memory_space<vmem>>, vector<16xi32>,
    }
    %scan3A_55 = arith.constant 2048 : i32
    %broadcast_in_dim3A_56 = arith.constant 0.000000e+00 : f32
    %broadcast_in_dim3A_57 = vector.broadcast %broadcast_in_dim3A_56 : f32 to vector<16xf32>
    %scan3A_58 = arith.constant 0 : i32
    %scan3A_59 = arith.constant 14 : i32
    %scan3A_60 = arith.addi %scan3A_58, %scan3A_59 : i32
    %scan3A_61 = arith.constant 1 : i32
    %scan3A_62 = scf.for %scan3A_90 = %scan3A_58 to %scan3A_60 step %scan3A_61 iter_args(%scan3A_91 = %broadcast_in_dim3A_57) -> (vector<16xf32>)  : i32 {
      %mul3A_92 = arith.constant 10752 : i32
      %mul3A_93 = arith.muli %scan3A_90, %mul3A_92 : i32
      %add3A_94 = arith.addi %mul3A_49, %mul3A_93 : i32
      "tpu.region"() ({
        %run_scoped3A = tpu.sem_alloc : memref<!tpu.dma_semaphore, #tpu.memory_space<semaphore_mem>>
        %dma_start3A = tpu.memref_slice %arg2[%add3A_94] : memref<9633792xf32, #tpu.memory_space<hbm>> -> memref<10752xf32, #tpu.memory_space<hbm>>
        %dma_start3A_101 = tpu.memref_slice %arg2[%add3A_94] : memref<9633792xf32, #tpu.memory_space<hbm>> -> memref<10752xf32, #tpu.memory_space<hbm>>
        tpu.enqueue_dma source(%dma_start3A_101 : memref<10752xf32, #tpu.memory_space<hbm>>) target(%arg9 : memref<10752xf32, #tpu.memory_space<vmem>>) target_semaphore(%run_scoped3A : memref<!tpu.dma_semaphore, #tpu.memory_space<semaphore_mem>>)
        %dma_wait3A = tpu.memref_slice %arg2[%add3A_94] : memref<9633792xf32, #tpu.memory_space<hbm>> -> memref<10752xf32, #tpu.memory_space<hbm>>
        %dma_wait3A_102 = tpu.memref_slice %arg2[%add3A_94] : memref<9633792xf32, #tpu.memory_space<hbm>> -> memref<10752xf32, #tpu.memory_space<hbm>>
        tpu.wait_dma2 semaphore(%run_scoped3A : memref<!tpu.dma_semaphore, #tpu.memory_space<semaphore_mem>>) src(%dma_wait3A_102 : memref<10752xf32, #tpu.memory_space<hbm>>) dst(%arg9 : memref<10752xf32, #tpu.memory_space<vmem>>)
        tpu.yield
      }) : () -> ()
      %scan3A_95 = arith.constant 0 : i32
      %scan3A_96 = arith.constant 672 : i32
      %scan3A_97 = arith.addi %scan3A_95, %scan3A_96 : i32
      %scan3A_98 = arith.constant 1 : i32
      %scan3A_99 = scf.for %scan3A_101 = %scan3A_95 to %scan3A_97 step %scan3A_98 iter_args(%scan3A_102 = %scan3A_91) -> (vector<16xf32>)  : i32 {
        %mul3A_103 = arith.constant 16 : i32
        %mul3A_104 = arith.muli %scan3A_101, %mul3A_103 : i32
        %get3A = arith.index_cast %mul3A_104 : i32 to index
        %get3A_105 = tpu.vector_load %arg9[%get3A] {strides = array<i32>} : memref<10752xf32, #tpu.memory_space<vmem>>, vector<16xf32>,
        %add3A_106 = arith.constant 5.000000e-01 : f32
        %add3A_107 = vector.broadcast %add3A_106 : f32 to vector<16xf32>
        %add3A_108 = arith.addf %get3A_105, %add3A_107 : vector<16xf32>
        %bitcast_convert_type3A = tpu.bitcast %add3A_108 : vector<16xf32> -> vector<16xi32>
        %and3A = arith.constant 32767 : i32
        %and3A_109 = vector.broadcast %and3A : i32 to vector<16xi32>
        %and3A_110 = arith.andi %bitcast_convert_type3A, %and3A_109 : vector<16xi32>
        %shift_right_logical3A = arith.constant 15 : i32
        %shift_right_logical3A_111 = vector.broadcast %shift_right_logical3A : i32 to vector<16xi32>
        %shift_right_logical3A_112 = arith.shrui %bitcast_convert_type3A, %shift_right_logical3A_111 : vector<16xi32>
        %broadcast_in_dim3A_113 = arith.constant true
        %broadcast_in_dim3A_114 = vector.broadcast %broadcast_in_dim3A_113 : i1 to vector<16xi1>
        %unique3A, %unique3A_115 = tpu.scan_count mask(%broadcast_in_dim3A_114 : vector<16xi1>) value(%and3A_110 : vector<16xi32>) : vector<16xi1>, vector<16xi32>
        tpu.vector_store_idx %arg7[%and3A_110], %unique3A_115 masked %unique3A {add = true} : memref<32768xi32, #tpu.memory_space<vmem>>[vector<16xi32>], vector<16xi32>, vector<16xi1>
        %broadcast_in_dim3A_116 = arith.constant true
        %broadcast_in_dim3A_117 = vector.broadcast %broadcast_in_dim3A_116 : i1 to vector<16xi1>
        %unique3A_118, %unique3A_119 = tpu.scan_count mask(%broadcast_in_dim3A_117 : vector<16xi1>) value(%shift_right_logical3A_112 : vector<16xi32>) : vector<16xi1>, vector<16xi32>
        tpu.vector_store_idx %arg8[%shift_right_logical3A_112], %unique3A_119 masked %unique3A_118 {add = true} : memref<32768xi32, #tpu.memory_space<vmem>>[vector<16xi32>], vector<16xi32>, vector<16xi1>
        %add3A_120 = arith.addf %scan3A_102, %add3A_108 : vector<16xf32>
        scf.yield %add3A_120 : vector<16xf32>
      }
      %scan3A_100 = arith.constant 672 : i32
      scf.yield %scan3A_99 : vector<16xf32>
    }
    %scan3A_63 = arith.constant 14 : i32
    %swap3A_64 = arith.constant 0 : index
    %swap3A_65 = tpu.vector_load %arg13[%swap3A_64] {strides = array<i32>} : memref<16xf32, #tpu.memory_space<vmem>>, vector<16xf32>,
    tpu.vector_store %arg13[%swap3A_64], %scan3A_62 {strides = array<i32>} : memref<16xf32, #tpu.memory_space<vmem>>, vector<16xf32>,
    %mul3A_66 = arith.constant 16 : i32
    %mul3A_67 = arith.muli %add3A_47, %mul3A_66 : i32
    "tpu.region"() ({
      %run_scoped3A = tpu.sem_alloc : memref<!tpu.dma_semaphore, #tpu.memory_space<semaphore_mem>>
      %dma_start3A = tpu.memref_slice %arg3[%mul3A_67] : memref<1024xf32, #tpu.memory_space<hbm>> -> memref<16xf32, #tpu.memory_space<hbm>>
      %dma_start3A_90 = tpu.memref_slice %arg3[%mul3A_67] : memref<1024xf32, #tpu.memory_space<hbm>> -> memref<16xf32, #tpu.memory_space<hbm>>
      tpu.enqueue_dma source(%arg13 : memref<16xf32, #tpu.memory_space<vmem>>) target(%dma_start3A_90 : memref<16xf32, #tpu.memory_space<hbm>>) target_semaphore(%run_scoped3A : memref<!tpu.dma_semaphore, #tpu.memory_space<semaphore_mem>>)
      %dma_wait3A = tpu.memref_slice %arg3[%mul3A_67] : memref<1024xf32, #tpu.memory_space<hbm>> -> memref<16xf32, #tpu.memory_space<hbm>>
      %dma_wait3A_91 = tpu.memref_slice %arg3[%mul3A_67] : memref<1024xf32, #tpu.memory_space<hbm>> -> memref<16xf32, #tpu.memory_space<hbm>>
      tpu.wait_dma2 semaphore(%run_scoped3A : memref<!tpu.dma_semaphore, #tpu.memory_space<semaphore_mem>>) src(%arg13 : memref<16xf32, #tpu.memory_space<vmem>>) dst(%dma_wait3A_91 : memref<16xf32, #tpu.memory_space<hbm>>)
      tpu.yield
    }) : () -> ()
    %broadcast_in_dim3A_68 = vector.broadcast %mul3A_49 : i32 to vector<16xi32>
    %scan3A_69 = arith.constant 0 : i32
    %scan3A_70 = arith.constant 2048 : i32
    %scan3A_71 = arith.addi %scan3A_69, %scan3A_70 : i32
    %scan3A_72 = arith.constant 1 : i32
    %scan3A_73 = scf.for %scan3A_90 = %scan3A_69 to %scan3A_71 step %scan3A_72 iter_args(%scan3A_91 = %broadcast_in_dim3A_68) -> (vector<16xi32>)  : i32 {
      %mul3A_92 = arith.constant 16 : i32
      %mul3A_93 = arith.muli %scan3A_90, %mul3A_92 : i32
      %get3A = arith.index_cast %mul3A_93 : i32 to index
      %get3A_94 = tpu.vector_load %arg7[%get3A] {strides = array<i32>} : memref<32768xi32, #tpu.memory_space<vmem>>, vector<16xi32>,
      %broadcast_in_dim3A_95 = arith.constant true
      %broadcast_in_dim3A_96 = vector.broadcast %broadcast_in_dim3A_95 : i1 to vector<16xi1>
      %masked_cumsum3A = tpu.scan <sum>, %get3A_94 masked %broadcast_in_dim3A_96 : vector<16xi32>, vector<16xi1> -> vector<16xi32>
      %sub3A = arith.subi %masked_cumsum3A, %get3A_94 : vector<16xi32>
      %add3A_97 = arith.addi %scan3A_91, %sub3A : vector<16xi32>
      %mul3A_98 = arith.constant 16 : i32
      %mul3A_99 = arith.muli %scan3A_90, %mul3A_98 : i32
      %swap3A_100 = arith.index_cast %mul3A_99 : i32 to index
      %swap3A_101 = tpu.vector_load %arg7[%swap3A_100] {strides = array<i32>} : memref<32768xi32, #tpu.memory_space<vmem>>, vector<16xi32>,
      tpu.vector_store %arg7[%swap3A_100], %add3A_97 {strides = array<i32>} : memref<32768xi32, #tpu.memory_space<vmem>>, vector<16xi32>,
      %reduce_sum3A = arith.constant true
      %reduce_sum3A_102 = vector.broadcast %reduce_sum3A : i1 to vector<16xi1>
      %reduce_sum3A_103 = tpu.scan <sum>, %get3A_94 masked %reduce_sum3A_102 : vector<16xi32>, vector<16xi1> -> vector<16xi32>
      %reduce_sum3A_104 = vector.extract %reduce_sum3A_103[15] : i32 from vector<16xi32>
      %add3A_105 = vector.broadcast %reduce_sum3A_104 : i32 to vector<16xi32>
      %add3A_106 = arith.addi %scan3A_91, %add3A_105 : vector<16xi32>
      scf.yield %add3A_106 : vector<16xi32>
    }
    %scan3A_74 = arith.constant 2048 : i32
    %broadcast_in_dim3A_75 = vector.broadcast %mul3A_49 : i32 to vector<16xi32>
    %scan3A_76 = arith.constant 0 : i32
    %scan3A_77 = arith.constant 2048 : i32
    %scan3A_78 = arith.addi %scan3A_76, %scan3A_77 : i32
    %scan3A_79 = arith.constant 1 : i32
    %scan3A_80 = scf.for %scan3A_90 = %scan3A_76 to %scan3A_78 step %scan3A_79 iter_args(%scan3A_91 = %broadcast_in_dim3A_75) -> (vector<16xi32>)  : i32 {
      %mul3A_92 = arith.constant 16 : i32
      %mul3A_93 = arith.muli %scan3A_90, %mul3A_92 : i32
      %get3A = arith.index_cast %mul3A_93 : i32 to index
      %get3A_94 = tpu.vector_load %arg8[%get3A] {strides = array<i32>} : memref<32768xi32, #tpu.memory_space<vmem>>, vector<16xi32>,
      %broadcast_in_dim3A_95 = arith.constant true
      %broadcast_in_dim3A_96 = vector.broadcast %broadcast_in_dim3A_95 : i1 to vector<16xi1>
      %masked_cumsum3A = tpu.scan <sum>, %get3A_94 masked %broadcast_in_dim3A_96 : vector<16xi32>, vector<16xi1> -> vector<16xi32>
      %sub3A = arith.subi %masked_cumsum3A, %get3A_94 : vector<16xi32>
      %add3A_97 = arith.addi %scan3A_91, %sub3A : vector<16xi32>
      %mul3A_98 = arith.constant 16 : i32
      %mul3A_99 = arith.muli %scan3A_90, %mul3A_98 : i32
      %swap3A_100 = arith.index_cast %mul3A_99 : i32 to index
      %swap3A_101 = tpu.vector_load %arg8[%swap3A_100] {strides = array<i32>} : memref<32768xi32, #tpu.memory_space<vmem>>, vector<16xi32>,
      tpu.vector_store %arg8[%swap3A_100], %add3A_97 {strides = array<i32>} : memref<32768xi32, #tpu.memory_space<vmem>>, vector<16xi32>,
      %reduce_sum3A = arith.constant true
      %reduce_sum3A_102 = vector.broadcast %reduce_sum3A : i1 to vector<16xi1>
      %reduce_sum3A_103 = tpu.scan <sum>, %get3A_94 masked %reduce_sum3A_102 : vector<16xi32>, vector<16xi1> -> vector<16xi32>
      %reduce_sum3A_104 = vector.extract %reduce_sum3A_103[15] : i32 from vector<16xi32>
      %add3A_105 = vector.broadcast %reduce_sum3A_104 : i32 to vector<16xi32>
      %add3A_106 = arith.addi %scan3A_91, %add3A_105 : vector<16xi32>
      scf.yield %add3A_106 : vector<16xi32>
    }
    %scan3A_81 = arith.constant 2048 : i32
    %mul3A_82 = arith.constant 32768 : i32
    %mul3A_83 = arith.muli %add3A_47, %mul3A_82 : i32
    "tpu.region"() ({
      %run_scoped3A = tpu.sem_alloc : memref<!tpu.dma_semaphore, #tpu.memory_space<semaphore_mem>>
      %dma_start3A = tpu.memref_slice %arg6[%mul3A_83] : memref<2097152xi32, #tpu.memory_space<hbm>> -> memref<32768xi32, #tpu.memory_space<hbm>>
      %dma_start3A_90 = tpu.memref_slice %arg6[%mul3A_83] : memref<2097152xi32, #tpu.memory_space<hbm>> -> memref<32768xi32, #tpu.memory_space<hbm>>
      tpu.enqueue_dma source(%arg8 : memref<32768xi32, #tpu.memory_space<vmem>>) target(%dma_start3A_90 : memref<32768xi32, #tpu.memory_space<hbm>>) target_semaphore(%run_scoped3A : memref<!tpu.dma_semaphore, #tpu.memory_space<semaphore_mem>>)
      %dma_wait3A = tpu.memref_slice %arg6[%mul3A_83] : memref<2097152xi32, #tpu.memory_space<hbm>> -> memref<32768xi32, #tpu.memory_space<hbm>>
      %dma_wait3A_91 = tpu.memref_slice %arg6[%mul3A_83] : memref<2097152xi32, #tpu.memory_space<hbm>> -> memref<32768xi32, #tpu.memory_space<hbm>>
      tpu.wait_dma2 semaphore(%run_scoped3A : memref<!tpu.dma_semaphore, #tpu.memory_space<semaphore_mem>>) src(%arg8 : memref<32768xi32, #tpu.memory_space<vmem>>) dst(%dma_wait3A_91 : memref<32768xi32, #tpu.memory_space<hbm>>)
      tpu.yield
    }) : () -> ()
    %scan3A_84 = arith.constant 0 : i32
    %scan3A_85 = arith.constant 0 : i32
    %scan3A_86 = arith.constant 14 : i32
    %scan3A_87 = arith.addi %scan3A_85, %scan3A_86 : i32
    %scan3A_88 = arith.constant 1 : i32
    scf.for %scan3A_90 = %scan3A_85 to %scan3A_87 step %scan3A_88  : i32 {
      %mul3A_91 = arith.constant 10752 : i32
      %mul3A_92 = arith.muli %scan3A_90, %mul3A_91 : i32
      %add3A_93 = arith.addi %mul3A_49, %mul3A_92 : i32
      "tpu.region"() ({
        %run_scoped3A = tpu.sem_alloc : memref<!tpu.dma_semaphore, #tpu.memory_space<semaphore_mem>>
        %dma_start3A_106 = tpu.memref_slice %arg2[%add3A_93] : memref<9633792xf32, #tpu.memory_space<hbm>> -> memref<10752xf32, #tpu.memory_space<hbm>>
        %dma_start3A_107 = tpu.memref_slice %arg2[%add3A_93] : memref<9633792xf32, #tpu.memory_space<hbm>> -> memref<10752xf32, #tpu.memory_space<hbm>>
        tpu.enqueue_dma source(%dma_start3A_107 : memref<10752xf32, #tpu.memory_space<hbm>>) target(%arg9 : memref<10752xf32, #tpu.memory_space<vmem>>) target_semaphore(%run_scoped3A : memref<!tpu.dma_semaphore, #tpu.memory_space<semaphore_mem>>)
        %dma_wait3A_108 = tpu.memref_slice %arg2[%add3A_93] : memref<9633792xf32, #tpu.memory_space<hbm>> -> memref<10752xf32, #tpu.memory_space<hbm>>
        %dma_wait3A_109 = tpu.memref_slice %arg2[%add3A_93] : memref<9633792xf32, #tpu.memory_space<hbm>> -> memref<10752xf32, #tpu.memory_space<hbm>>
        tpu.wait_dma2 semaphore(%run_scoped3A : memref<!tpu.dma_semaphore, #tpu.memory_space<semaphore_mem>>) src(%dma_wait3A_109 : memref<10752xf32, #tpu.memory_space<hbm>>) dst(%arg9 : memref<10752xf32, #tpu.memory_space<vmem>>)
        tpu.yield
      }) : () -> ()
      %scan3A_94 = arith.constant 0 : i32
      %scan3A_95 = arith.constant 0 : i32
      %scan3A_96 = arith.constant 672 : i32
      %scan3A_97 = arith.addi %scan3A_95, %scan3A_96 : i32
      %scan3A_98 = arith.constant 1 : i32
      scf.for %scan3A_106 = %scan3A_95 to %scan3A_97 step %scan3A_98  : i32 {
        %mul3A_107 = arith.constant 16 : i32
        %mul3A_108 = arith.muli %scan3A_106, %mul3A_107 : i32
        %get3A = arith.index_cast %mul3A_108 : i32 to index
        %get3A_109 = tpu.vector_load %arg9[%get3A] {strides = array<i32>} : memref<10752xf32, #tpu.memory_space<vmem>>, vector<16xf32>,
        %add3A_110 = arith.constant 5.000000e-01 : f32
        %add3A_111 = vector.broadcast %add3A_110 : f32 to vector<16xf32>
        %add3A_112 = arith.addf %get3A_109, %add3A_111 : vector<16xf32>
        %bitcast_convert_type3A = tpu.bitcast %add3A_112 : vector<16xf32> -> vector<16xi32>
        %and3A = arith.constant 32767 : i32
        %and3A_113 = vector.broadcast %and3A : i32 to vector<16xi32>
        %and3A_114 = arith.andi %bitcast_convert_type3A, %and3A_113 : vector<16xi32>
        %broadcast_in_dim3A_115 = arith.constant true
        %broadcast_in_dim3A_116 = vector.broadcast %broadcast_in_dim3A_115 : i1 to vector<16xi1>
        %unique3A, %unique3A_117 = tpu.scan_count mask(%broadcast_in_dim3A_116 : vector<16xi1>) value(%and3A_114 : vector<16xi32>) : vector<16xi1>, vector<16xi32>
        %gather3A = tpu.vector_load_idx %arg7[%and3A_114] : memref<32768xi32, #tpu.memory_space<vmem>>[vector<16xi32>], vector<16xi32>,
        %add3A_118 = arith.addi %gather3A, %unique3A_117 : vector<16xi32>
        %sub3A = arith.constant 1 : i32
        %sub3A_119 = vector.broadcast %sub3A : i32 to vector<16xi32>
        %sub3A_120 = arith.subi %add3A_118, %sub3A_119 : vector<16xi32>
        %mul3A_121 = arith.constant 16 : i32
        %mul3A_122 = arith.muli %scan3A_106, %mul3A_121 : i32
        %swap3A_123 = arith.index_cast %mul3A_122 : i32 to index
        %swap3A_124 = tpu.vector_load %arg12[%swap3A_123] {strides = array<i32>} : memref<10752xi32, #tpu.memory_space<vmem>>, vector<16xi32>,
        tpu.vector_store %arg12[%swap3A_123], %sub3A_120 {strides = array<i32>} : memref<10752xi32, #tpu.memory_space<vmem>>, vector<16xi32>,
        %mul3A_125 = arith.constant 16 : i32
        %mul3A_126 = arith.muli %scan3A_106, %mul3A_125 : i32
        %swap3A_127 = arith.index_cast %mul3A_126 : i32 to index
        %swap3A_128 = tpu.vector_load %arg10[%swap3A_127] {strides = array<i32>} : memref<10752xf32, #tpu.memory_space<vmem>>, vector<16xf32>,
        tpu.vector_store %arg10[%swap3A_127], %add3A_112 {strides = array<i32>} : memref<10752xf32, #tpu.memory_space<vmem>>, vector<16xf32>,
        %mul3A_129 = arith.constant 16 : i32
        %mul3A_130 = arith.muli %scan3A_106, %mul3A_129 : i32
        %add3A_131 = arith.addi %add3A_93, %mul3A_130 : i32
        %add3A_132 = vector.broadcast %add3A_131 : i32 to vector<16xi32>
        %add3A_133 = arith.addi %add3A_132, %iota3A : vector<16xi32>
        %mul3A_134 = arith.constant 16 : i32
        %mul3A_135 = arith.muli %scan3A_106, %mul3A_134 : i32
        %swap3A_136 = arith.index_cast %mul3A_135 : i32 to index
        %swap3A_137 = tpu.vector_load %arg11[%swap3A_136] {strides = array<i32>} : memref<10752xi32, #tpu.memory_space<vmem>>, vector<16xi32>,
        tpu.vector_store %arg11[%swap3A_136], %add3A_133 {strides = array<i32>} : memref<10752xi32, #tpu.memory_space<vmem>>, vector<16xi32>,
        tpu.vector_store_idx %arg7[%and3A_114], %unique3A_117 masked %unique3A {add = true} : memref<32768xi32, #tpu.memory_space<vmem>>[vector<16xi32>], vector<16xi32>, vector<16xi1>
      }
      %scan3A_99 = arith.constant 672 : i32
      %dma_start3A = arith.constant 0 : i32
      %dma_start3A_100 = tpu.memref_slice %arg4[%dma_start3A] : memref<9633792xf32, #tpu.memory_space<hbm>> -> memref<9633792xf32, #tpu.memory_space<hbm>>
      tpu.enqueue_indirect_dma source(%arg10 : memref<10752xf32, #tpu.memory_space<vmem>>) target(%dma_start3A_100 : memref<9633792xf32, #tpu.memory_space<hbm>>) offsets(%arg12 : memref<10752xi32, #tpu.memory_space<vmem>>) semaphore(%arg14 : memref<!tpu.dma_semaphore, #tpu.memory_space<semaphore_mem>>)
      %dma_start3A_101 = arith.constant 0 : i32
      %dma_start3A_102 = tpu.memref_slice %arg5[%dma_start3A_101] : memref<9633792xi32, #tpu.memory_space<hbm>> -> memref<9633792xi32, #tpu.memory_space<hbm>>
      tpu.enqueue_indirect_dma source(%arg11 : memref<10752xi32, #tpu.memory_space<vmem>>) target(%dma_start3A_102 : memref<9633792xi32, #tpu.memory_space<hbm>>) offsets(%arg12 : memref<10752xi32, #tpu.memory_space<vmem>>) semaphore(%arg15 : memref<!tpu.dma_semaphore, #tpu.memory_space<semaphore_mem>>)
      %dma_wait3A = arith.constant 0 : i32
      %dma_wait3A_103 = tpu.memref_slice %arg4[%dma_wait3A] : memref<9633792xf32, #tpu.memory_space<hbm>> -> memref<9633792xf32, #tpu.memory_space<hbm>>
      tpu.wait_indirect_dma semaphore(%arg14 : memref<!tpu.dma_semaphore, #tpu.memory_space<semaphore_mem>>) src(%arg10 : memref<10752xf32, #tpu.memory_space<vmem>>) dst(%dma_wait3A_103 : memref<9633792xf32, #tpu.memory_space<hbm>>)
      %dma_wait3A_104 = arith.constant 0 : i32
      %dma_wait3A_105 = tpu.memref_slice %arg5[%dma_wait3A_104] : memref<9633792xi32, #tpu.memory_space<hbm>> -> memref<9633792xi32, #tpu.memory_space<hbm>>
      tpu.wait_indirect_dma semaphore(%arg15 : memref<!tpu.dma_semaphore, #tpu.memory_space<semaphore_mem>>) src(%arg11 : memref<10752xi32, #tpu.memory_space<vmem>>) dst(%dma_wait3A_105 : memref<9633792xi32, #tpu.memory_space<hbm>>)
    }
    %scan3A_89 = arith.constant 14 : i32
    return
  }
}

#map = affine_map<(d0, d1) -> (0)>
module attributes {stable_mosaic.version = 14 : i64} {
  func.func @_match_body(%arg0: i32, %arg1: i32, %arg2: memref<9633792xf32, #tpu.memory_space<hbm>>, %arg3: memref<9633792xi32, #tpu.memory_space<hbm>>, %arg4: memref<1024xf32, #tpu.memory_space<hbm>>, %arg5: memref<1024xi32, #tpu.memory_space<hbm>>, %arg6: memref<9633792xf32, #tpu.memory_space<hbm>>, %arg7: memref<10752xf32, #tpu.memory_space<vmem>>, %arg8: memref<10752xi32, #tpu.memory_space<vmem>>, %arg9: memref<75264xf32, #tpu.memory_space<vmem>>, %arg10: memref<1024xi32, #tpu.memory_space<vmem>>, %arg11: memref<16xf32, #tpu.memory_space<vmem>>) attributes {dimension_semantics = [#tpu.dimension_semantics<core_parallel>, #tpu.dimension_semantics<subcore_parallel>], iteration_bounds = array<i64: 2, 16>, scalar_prefetch = 0 : i64, scratch_operands = 5 : i64, tpu.core_type = #tpu.core_type<sc_vector_subcore>, window_params = [{transform_indices = #map}, {transform_indices = #map}, {transform_indices = #map}, {transform_indices = #map}, {transform_indices = #map}]} {
    %mul3A = arith.constant 16 : i32
    %mul3A_0 = arith.muli %arg0, %mul3A : i32
    %add3A = arith.addi %mul3A_0, %arg1 : i32
    "tpu.region"() ({
      %run_scoped3A = tpu.sem_alloc : memref<!tpu.dma_semaphore, #tpu.memory_space<semaphore_mem>>
      tpu.enqueue_dma source(%arg5 : memref<1024xi32, #tpu.memory_space<hbm>>) target(%arg10 : memref<1024xi32, #tpu.memory_space<vmem>>) target_semaphore(%run_scoped3A : memref<!tpu.dma_semaphore, #tpu.memory_space<semaphore_mem>>)
      tpu.wait_dma2 semaphore(%run_scoped3A : memref<!tpu.dma_semaphore, #tpu.memory_space<semaphore_mem>>) src(%arg5 : memref<1024xi32, #tpu.memory_space<hbm>>) dst(%arg10 : memref<1024xi32, #tpu.memory_space<vmem>>)
      tpu.yield
    }) : () -> ()
    %mul3A_1 = arith.constant 2 : i32
    %mul3A_2 = arith.muli %add3A, %mul3A_1 : i32
    %add3A_3 = arith.constant 0 : i32
    %add3A_4 = arith.addi %mul3A_2, %add3A_3 : i32
    %mul3A_5 = arith.constant 16 : i32
    %mul3A_6 = arith.muli %add3A_4, %mul3A_5 : i32
    %get3A = arith.index_cast %mul3A_6 : i32 to index
    %get3A_7 = tpu.vector_load %arg10[%get3A] {strides = array<i32>} : memref<1024xi32, #tpu.memory_space<vmem>>, vector<16xi32>,
    %slice3A = vector.extract_strided_slice %get3A_7 {offsets = [0], sizes = [1], strides = [1]} : vector<16xi32> to vector<1xi32>
    %squeeze3A = vector.extract %slice3A[0] : i32 from vector<1xi32>
    %mul3A_8 = arith.constant 150528 : i32
    %mul3A_9 = arith.muli %add3A_4, %mul3A_8 : i32
    %mul3A_10 = arith.constant 150528 : i32
    %mul3A_11 = arith.muli %squeeze3A, %mul3A_10 : i32
    %mul3A_12 = arith.constant 16 : i32
    %mul3A_13 = arith.muli %squeeze3A, %mul3A_12 : i32
    "tpu.region"() ({
      %run_scoped3A = tpu.sem_alloc : memref<!tpu.dma_semaphore, #tpu.memory_space<semaphore_mem>>
      %dma_start3A = tpu.memref_slice %arg4[%mul3A_13] : memref<1024xf32, #tpu.memory_space<hbm>> -> memref<16xf32, #tpu.memory_space<hbm>>
      %dma_start3A_87 = tpu.memref_slice %arg4[%mul3A_13] : memref<1024xf32, #tpu.memory_space<hbm>> -> memref<16xf32, #tpu.memory_space<hbm>>
      tpu.enqueue_dma source(%dma_start3A_87 : memref<16xf32, #tpu.memory_space<hbm>>) target(%arg11 : memref<16xf32, #tpu.memory_space<vmem>>) target_semaphore(%run_scoped3A : memref<!tpu.dma_semaphore, #tpu.memory_space<semaphore_mem>>)
      %dma_wait3A = tpu.memref_slice %arg4[%mul3A_13] : memref<1024xf32, #tpu.memory_space<hbm>> -> memref<16xf32, #tpu.memory_space<hbm>>
      %dma_wait3A_88 = tpu.memref_slice %arg4[%mul3A_13] : memref<1024xf32, #tpu.memory_space<hbm>> -> memref<16xf32, #tpu.memory_space<hbm>>
      tpu.wait_dma2 semaphore(%run_scoped3A : memref<!tpu.dma_semaphore, #tpu.memory_space<semaphore_mem>>) src(%dma_wait3A_88 : memref<16xf32, #tpu.memory_space<hbm>>) dst(%arg11 : memref<16xf32, #tpu.memory_space<vmem>>)
      tpu.yield
    }) : () -> ()
    %broadcast_in_dim3A = arith.constant 6.64328218E-6 : f32
    %broadcast_in_dim3A_14 = vector.broadcast %broadcast_in_dim3A : f32 to vector<16xf32>
    %get3A_15 = arith.constant 0 : index
    %get3A_16 = tpu.vector_load %arg11[%get3A_15] {strides = array<i32>} : memref<16xf32, #tpu.memory_space<vmem>>, vector<16xf32>,
    %reduce_sum3A = arith.constant true
    %reduce_sum3A_17 = vector.broadcast %reduce_sum3A : i1 to vector<16xi1>
    %reduce_sum3A_18 = tpu.scan <sum>, %get3A_16 masked %reduce_sum3A_17 : vector<16xf32>, vector<16xi1> -> vector<16xf32>
    %reduce_sum3A_19 = vector.extract %reduce_sum3A_18[15] : f32 from vector<16xf32>
    %mul3A_20 = vector.broadcast %reduce_sum3A_19 : f32 to vector<16xf32>
    %mul3A_21 = arith.mulf %broadcast_in_dim3A_14, %mul3A_20 : vector<16xf32>
    %broadcast_in_dim3A_22 = arith.constant 1.000000e-03 : f32
    %broadcast_in_dim3A_23 = vector.broadcast %broadcast_in_dim3A_22 : f32 to vector<16xf32>
    %broadcast_in_dim3A_24 = arith.constant 9.990000e-01 : f32
    %broadcast_in_dim3A_25 = vector.broadcast %broadcast_in_dim3A_24 : f32 to vector<16xf32>
    %add3A_26 = arith.constant 0 : i32
    %add3A_27 = arith.addi %mul3A_9, %add3A_26 : i32
    %scan3A = arith.constant 0 : i32
    %scan3A_28 = arith.constant 0 : i32
    %scan3A_29 = arith.constant 14 : i32
    %scan3A_30 = arith.addi %scan3A_28, %scan3A_29 : i32
    %scan3A_31 = arith.constant 1 : i32
    scf.for %scan3A_87 = %scan3A_28 to %scan3A_30 step %scan3A_31  : i32 {
      %mul3A_88 = arith.constant 10752 : i32
      %mul3A_89 = arith.muli %scan3A_87, %mul3A_88 : i32
      %add3A_90 = arith.addi %mul3A_11, %mul3A_89 : i32
      "tpu.region"() ({
        %run_scoped3A = tpu.sem_alloc : memref<!tpu.dma_semaphore, #tpu.memory_space<semaphore_mem>>
        %dma_start3A = tpu.memref_slice %arg2[%add3A_90] : memref<9633792xf32, #tpu.memory_space<hbm>> -> memref<10752xf32, #tpu.memory_space<hbm>>
        %dma_start3A_100 = tpu.memref_slice %arg2[%add3A_90] : memref<9633792xf32, #tpu.memory_space<hbm>> -> memref<10752xf32, #tpu.memory_space<hbm>>
        tpu.enqueue_dma source(%dma_start3A_100 : memref<10752xf32, #tpu.memory_space<hbm>>) target(%arg7 : memref<10752xf32, #tpu.memory_space<vmem>>) target_semaphore(%run_scoped3A : memref<!tpu.dma_semaphore, #tpu.memory_space<semaphore_mem>>)
        %dma_wait3A = tpu.memref_slice %arg2[%add3A_90] : memref<9633792xf32, #tpu.memory_space<hbm>> -> memref<10752xf32, #tpu.memory_space<hbm>>
        %dma_wait3A_101 = tpu.memref_slice %arg2[%add3A_90] : memref<9633792xf32, #tpu.memory_space<hbm>> -> memref<10752xf32, #tpu.memory_space<hbm>>
        tpu.wait_dma2 semaphore(%run_scoped3A : memref<!tpu.dma_semaphore, #tpu.memory_space<semaphore_mem>>) src(%dma_wait3A_101 : memref<10752xf32, #tpu.memory_space<hbm>>) dst(%arg7 : memref<10752xf32, #tpu.memory_space<vmem>>)
        tpu.yield
      }) : () -> ()
      %mul3A_91 = arith.constant 10752 : i32
      %mul3A_92 = arith.muli %scan3A_87, %mul3A_91 : i32
      %add3A_93 = arith.addi %mul3A_9, %mul3A_92 : i32
      "tpu.region"() ({
        %run_scoped3A = tpu.sem_alloc : memref<!tpu.dma_semaphore, #tpu.memory_space<semaphore_mem>>
        %dma_start3A = tpu.memref_slice %arg3[%add3A_93] : memref<9633792xi32, #tpu.memory_space<hbm>> -> memref<10752xi32, #tpu.memory_space<hbm>>
        %dma_start3A_100 = tpu.memref_slice %arg3[%add3A_93] : memref<9633792xi32, #tpu.memory_space<hbm>> -> memref<10752xi32, #tpu.memory_space<hbm>>
        tpu.enqueue_dma source(%dma_start3A_100 : memref<10752xi32, #tpu.memory_space<hbm>>) target(%arg8 : memref<10752xi32, #tpu.memory_space<vmem>>) target_semaphore(%run_scoped3A : memref<!tpu.dma_semaphore, #tpu.memory_space<semaphore_mem>>)
        %dma_wait3A = tpu.memref_slice %arg3[%add3A_93] : memref<9633792xi32, #tpu.memory_space<hbm>> -> memref<10752xi32, #tpu.memory_space<hbm>>
        %dma_wait3A_101 = tpu.memref_slice %arg3[%add3A_93] : memref<9633792xi32, #tpu.memory_space<hbm>> -> memref<10752xi32, #tpu.memory_space<hbm>>
        tpu.wait_dma2 semaphore(%run_scoped3A : memref<!tpu.dma_semaphore, #tpu.memory_space<semaphore_mem>>) src(%dma_wait3A_101 : memref<10752xi32, #tpu.memory_space<hbm>>) dst(%arg8 : memref<10752xi32, #tpu.memory_space<vmem>>)
        tpu.yield
      }) : () -> ()
      %scan3A_94 = arith.constant 0 : i32
      %scan3A_95 = arith.constant 0 : i32
      %scan3A_96 = arith.constant 672 : i32
      %scan3A_97 = arith.addi %scan3A_95, %scan3A_96 : i32
      %scan3A_98 = arith.constant 1 : i32
      scf.for %scan3A_100 = %scan3A_95 to %scan3A_97 step %scan3A_98  : i32 {
        %mul3A_101 = arith.constant 16 : i32
        %mul3A_102 = arith.muli %scan3A_100, %mul3A_101 : i32
        %get3A_103 = arith.index_cast %mul3A_102 : i32 to index
        %get3A_104 = tpu.vector_load %arg7[%get3A_103] {strides = array<i32>} : memref<10752xf32, #tpu.memory_space<vmem>>, vector<16xf32>,
        %sub3A = arith.subf %get3A_104, %mul3A_21 : vector<16xf32>
        %add3A_105 = arith.constant 5.000000e-01 : f32
        %add3A_106 = vector.broadcast %add3A_105 : f32 to vector<16xf32>
        %add3A_107 = arith.addf %sub3A, %add3A_106 : vector<16xf32>
        %max3A = arith.maximumf %add3A_107, %broadcast_in_dim3A_23 : vector<16xf32>
        %min3A = arith.minimumf %max3A, %broadcast_in_dim3A_25 : vector<16xf32>
        %mul3A_108 = arith.constant 8.000000e-01 : f32
        %mul3A_109 = vector.broadcast %mul3A_108 : f32 to vector<16xf32>
        %mul3A_110 = arith.mulf %min3A, %mul3A_109 : vector<16xf32>
        %sub3A_111 = arith.constant 5.000000e-01 : f32
        %sub3A_112 = vector.broadcast %sub3A_111 : f32 to vector<16xf32>
        %sub3A_113 = arith.subf %mul3A_110, %sub3A_112 : vector<16xf32>
        %mul3A_114 = arith.constant 16 : i32
        %mul3A_115 = arith.muli %scan3A_100, %mul3A_114 : i32
        %get3A_116 = arith.index_cast %mul3A_115 : i32 to index
        %get3A_117 = tpu.vector_load %arg8[%get3A_116] {strides = array<i32>} : memref<10752xi32, #tpu.memory_space<vmem>>, vector<16xi32>,
        %sub3A_118 = vector.broadcast %add3A_27 : i32 to vector<16xi32>
        %sub3A_119 = arith.subi %get3A_117, %sub3A_118 : vector<16xi32>
        %ge3A = arith.constant 0 : i32
        %ge3A_120 = vector.broadcast %ge3A : i32 to vector<16xi32>
        %ge3A_121 = arith.cmpi sge, %sub3A_119, %ge3A_120 : vector<16xi32>
        %lt3A = arith.constant 75264 : i32
        %lt3A_122 = vector.broadcast %lt3A : i32 to vector<16xi32>
        %lt3A_123 = arith.cmpi slt, %sub3A_119, %lt3A_122 : vector<16xi32>
        %and3A = arith.andi %ge3A_121, %lt3A_123 : vector<16xi1>
        tpu.vector_store_idx %arg9[%sub3A_119], %sub3A_113 masked %and3A : memref<75264xf32, #tpu.memory_space<vmem>>[vector<16xi32>], vector<16xf32>, vector<16xi1>
      }
      %scan3A_99 = arith.constant 672 : i32
    }
    %scan3A_32 = arith.constant 14 : i32
    "tpu.region"() ({
      %run_scoped3A = tpu.sem_alloc : memref<!tpu.dma_semaphore, #tpu.memory_space<semaphore_mem>>
      %dma_start3A = tpu.memref_slice %arg6[%add3A_27] : memref<9633792xf32, #tpu.memory_space<hbm>> -> memref<75264xf32, #tpu.memory_space<hbm>>
      %dma_start3A_87 = tpu.memref_slice %arg6[%add3A_27] : memref<9633792xf32, #tpu.memory_space<hbm>> -> memref<75264xf32, #tpu.memory_space<hbm>>
      tpu.enqueue_dma source(%arg9 : memref<75264xf32, #tpu.memory_space<vmem>>) target(%dma_start3A_87 : memref<75264xf32, #tpu.memory_space<hbm>>) target_semaphore(%run_scoped3A : memref<!tpu.dma_semaphore, #tpu.memory_space<semaphore_mem>>)
      %dma_wait3A = tpu.memref_slice %arg6[%add3A_27] : memref<9633792xf32, #tpu.memory_space<hbm>> -> memref<75264xf32, #tpu.memory_space<hbm>>
      %dma_wait3A_88 = tpu.memref_slice %arg6[%add3A_27] : memref<9633792xf32, #tpu.memory_space<hbm>> -> memref<75264xf32, #tpu.memory_space<hbm>>
      tpu.wait_dma2 semaphore(%run_scoped3A : memref<!tpu.dma_semaphore, #tpu.memory_space<semaphore_mem>>) src(%arg9 : memref<75264xf32, #tpu.memory_space<vmem>>) dst(%dma_wait3A_88 : memref<75264xf32, #tpu.memory_space<hbm>>)
      tpu.yield
    }) : () -> ()
    %add3A_33 = arith.constant 75264 : i32
    %add3A_34 = arith.addi %mul3A_9, %add3A_33 : i32
    %scan3A_35 = arith.constant 0 : i32
    %scan3A_36 = arith.constant 0 : i32
    %scan3A_37 = arith.constant 14 : i32
    %scan3A_38 = arith.addi %scan3A_36, %scan3A_37 : i32
    %scan3A_39 = arith.constant 1 : i32
    scf.for %scan3A_87 = %scan3A_36 to %scan3A_38 step %scan3A_39  : i32 {
      %mul3A_88 = arith.constant 10752 : i32
      %mul3A_89 = arith.muli %scan3A_87, %mul3A_88 : i32
      %add3A_90 = arith.addi %mul3A_11, %mul3A_89 : i32
      "tpu.region"() ({
        %run_scoped3A = tpu.sem_alloc : memref<!tpu.dma_semaphore, #tpu.memory_space<semaphore_mem>>
        %dma_start3A = tpu.memref_slice %arg2[%add3A_90] : memref<9633792xf32, #tpu.memory_space<hbm>> -> memref<10752xf32, #tpu.memory_space<hbm>>
        %dma_start3A_100 = tpu.memref_slice %arg2[%add3A_90] : memref<9633792xf32, #tpu.memory_space<hbm>> -> memref<10752xf32, #tpu.memory_space<hbm>>
        tpu.enqueue_dma source(%dma_start3A_100 : memref<10752xf32, #tpu.memory_space<hbm>>) target(%arg7 : memref<10752xf32, #tpu.memory_space<vmem>>) target_semaphore(%run_scoped3A : memref<!tpu.dma_semaphore, #tpu.memory_space<semaphore_mem>>)
        %dma_wait3A = tpu.memref_slice %arg2[%add3A_90] : memref<9633792xf32, #tpu.memory_space<hbm>> -> memref<10752xf32, #tpu.memory_space<hbm>>
        %dma_wait3A_101 = tpu.memref_slice %arg2[%add3A_90] : memref<9633792xf32, #tpu.memory_space<hbm>> -> memref<10752xf32, #tpu.memory_space<hbm>>
        tpu.wait_dma2 semaphore(%run_scoped3A : memref<!tpu.dma_semaphore, #tpu.memory_space<semaphore_mem>>) src(%dma_wait3A_101 : memref<10752xf32, #tpu.memory_space<hbm>>) dst(%arg7 : memref<10752xf32, #tpu.memory_space<vmem>>)
        tpu.yield
      }) : () -> ()
      %mul3A_91 = arith.constant 10752 : i32
      %mul3A_92 = arith.muli %scan3A_87, %mul3A_91 : i32
      %add3A_93 = arith.addi %mul3A_9, %mul3A_92 : i32
      "tpu.region"() ({
        %run_scoped3A = tpu.sem_alloc : memref<!tpu.dma_semaphore, #tpu.memory_space<semaphore_mem>>
        %dma_start3A = tpu.memref_slice %arg3[%add3A_93] : memref<9633792xi32, #tpu.memory_space<hbm>> -> memref<10752xi32, #tpu.memory_space<hbm>>
        %dma_start3A_100 = tpu.memref_slice %arg3[%add3A_93] : memref<9633792xi32, #tpu.memory_space<hbm>> -> memref<10752xi32, #tpu.memory_space<hbm>>
        tpu.enqueue_dma source(%dma_start3A_100 : memref<10752xi32, #tpu.memory_space<hbm>>) target(%arg8 : memref<10752xi32, #tpu.memory_space<vmem>>) target_semaphore(%run_scoped3A : memref<!tpu.dma_semaphore, #tpu.memory_space<semaphore_mem>>)
        %dma_wait3A = tpu.memref_slice %arg3[%add3A_93] : memref<9633792xi32, #tpu.memory_space<hbm>> -> memref<10752xi32, #tpu.memory_space<hbm>>
        %dma_wait3A_101 = tpu.memref_slice %arg3[%add3A_93] : memref<9633792xi32, #tpu.memory_space<hbm>> -> memref<10752xi32, #tpu.memory_space<hbm>>
        tpu.wait_dma2 semaphore(%run_scoped3A : memref<!tpu.dma_semaphore, #tpu.memory_space<semaphore_mem>>) src(%dma_wait3A_101 : memref<10752xi32, #tpu.memory_space<hbm>>) dst(%arg8 : memref<10752xi32, #tpu.memory_space<vmem>>)
        tpu.yield
      }) : () -> ()
      %scan3A_94 = arith.constant 0 : i32
      %scan3A_95 = arith.constant 0 : i32
      %scan3A_96 = arith.constant 672 : i32
      %scan3A_97 = arith.addi %scan3A_95, %scan3A_96 : i32
      %scan3A_98 = arith.constant 1 : i32
      scf.for %scan3A_100 = %scan3A_95 to %scan3A_97 step %scan3A_98  : i32 {
        %mul3A_101 = arith.constant 16 : i32
        %mul3A_102 = arith.muli %scan3A_100, %mul3A_101 : i32
        %get3A_103 = arith.index_cast %mul3A_102 : i32 to index
        %get3A_104 = tpu.vector_load %arg7[%get3A_103] {strides = array<i32>} : memref<10752xf32, #tpu.memory_space<vmem>>, vector<16xf32>,
        %sub3A = arith.subf %get3A_104, %mul3A_21 : vector<16xf32>
        %add3A_105 = arith.constant 5.000000e-01 : f32
        %add3A_106 = vector.broadcast %add3A_105 : f32 to vector<16xf32>
        %add3A_107 = arith.addf %sub3A, %add3A_106 : vector<16xf32>
        %max3A = arith.maximumf %add3A_107, %broadcast_in_dim3A_23 : vector<16xf32>
        %min3A = arith.minimumf %max3A, %broadcast_in_dim3A_25 : vector<16xf32>
        %mul3A_108 = arith.constant 8.000000e-01 : f32
        %mul3A_109 = vector.broadcast %mul3A_108 : f32 to vector<16xf32>
        %mul3A_110 = arith.mulf %min3A, %mul3A_109 : vector<16xf32>
        %sub3A_111 = arith.constant 5.000000e-01 : f32
        %sub3A_112 = vector.broadcast %sub3A_111 : f32 to vector<16xf32>
        %sub3A_113 = arith.subf %mul3A_110, %sub3A_112 : vector<16xf32>
        %mul3A_114 = arith.constant 16 : i32
        %mul3A_115 = arith.muli %scan3A_100, %mul3A_114 : i32
        %get3A_116 = arith.index_cast %mul3A_115 : i32 to index
        %get3A_117 = tpu.vector_load %arg8[%get3A_116] {strides = array<i32>} : memref<10752xi32, #tpu.memory_space<vmem>>, vector<16xi32>,
        %sub3A_118 = vector.broadcast %add3A_34 : i32 to vector<16xi32>
        %sub3A_119 = arith.subi %get3A_117, %sub3A_118 : vector<16xi32>
        %ge3A = arith.constant 0 : i32
        %ge3A_120 = vector.broadcast %ge3A : i32 to vector<16xi32>
        %ge3A_121 = arith.cmpi sge, %sub3A_119, %ge3A_120 : vector<16xi32>
        %lt3A = arith.constant 75264 : i32
        %lt3A_122 = vector.broadcast %lt3A : i32 to vector<16xi32>
        %lt3A_123 = arith.cmpi slt, %sub3A_119, %lt3A_122 : vector<16xi32>
        %and3A = arith.andi %ge3A_121, %lt3A_123 : vector<16xi1>
        tpu.vector_store_idx %arg9[%sub3A_119], %sub3A_113 masked %and3A : memref<75264xf32, #tpu.memory_space<vmem>>[vector<16xi32>], vector<16xf32>, vector<16xi1>
      }
      %scan3A_99 = arith.constant 672 : i32
    }
    %scan3A_40 = arith.constant 14 : i32
    "tpu.region"() ({
      %run_scoped3A = tpu.sem_alloc : memref<!tpu.dma_semaphore, #tpu.memory_space<semaphore_mem>>
      %dma_start3A = tpu.memref_slice %arg6[%add3A_34] : memref<9633792xf32, #tpu.memory_space<hbm>> -> memref<75264xf32, #tpu.memory_space<hbm>>
      %dma_start3A_87 = tpu.memref_slice %arg6[%add3A_34] : memref<9633792xf32, #tpu.memory_space<hbm>> -> memref<75264xf32, #tpu.memory_space<hbm>>
      tpu.enqueue_dma source(%arg9 : memref<75264xf32, #tpu.memory_space<vmem>>) target(%dma_start3A_87 : memref<75264xf32, #tpu.memory_space<hbm>>) target_semaphore(%run_scoped3A : memref<!tpu.dma_semaphore, #tpu.memory_space<semaphore_mem>>)
      %dma_wait3A = tpu.memref_slice %arg6[%add3A_34] : memref<9633792xf32, #tpu.memory_space<hbm>> -> memref<75264xf32, #tpu.memory_space<hbm>>
      %dma_wait3A_88 = tpu.memref_slice %arg6[%add3A_34] : memref<9633792xf32, #tpu.memory_space<hbm>> -> memref<75264xf32, #tpu.memory_space<hbm>>
      tpu.wait_dma2 semaphore(%run_scoped3A : memref<!tpu.dma_semaphore, #tpu.memory_space<semaphore_mem>>) src(%arg9 : memref<75264xf32, #tpu.memory_space<vmem>>) dst(%dma_wait3A_88 : memref<75264xf32, #tpu.memory_space<hbm>>)
      tpu.yield
    }) : () -> ()
    %mul3A_41 = arith.constant 2 : i32
    %mul3A_42 = arith.muli %add3A, %mul3A_41 : i32
    %add3A_43 = arith.constant 1 : i32
    %add3A_44 = arith.addi %mul3A_42, %add3A_43 : i32
    %mul3A_45 = arith.constant 16 : i32
    %mul3A_46 = arith.muli %add3A_44, %mul3A_45 : i32
    %get3A_47 = arith.index_cast %mul3A_46 : i32 to index
    %get3A_48 = tpu.vector_load %arg10[%get3A_47] {strides = array<i32>} : memref<1024xi32, #tpu.memory_space<vmem>>, vector<16xi32>,
    %slice3A_49 = vector.extract_strided_slice %get3A_48 {offsets = [0], sizes = [1], strides = [1]} : vector<16xi32> to vector<1xi32>
    %squeeze3A_50 = vector.extract %slice3A_49[0] : i32 from vector<1xi32>
    %mul3A_51 = arith.constant 150528 : i32
    %mul3A_52 = arith.muli %add3A_44, %mul3A_51 : i32
    %mul3A_53 = arith.constant 150528 : i32
    %mul3A_54 = arith.muli %squeeze3A_50, %mul3A_53 : i32
    %mul3A_55 = arith.constant 16 : i32
    %mul3A_56 = arith.muli %squeeze3A_50, %mul3A_55 : i32
    "tpu.region"() ({
      %run_scoped3A = tpu.sem_alloc : memref<!tpu.dma_semaphore, #tpu.memory_space<semaphore_mem>>
      %dma_start3A = tpu.memref_slice %arg4[%mul3A_56] : memref<1024xf32, #tpu.memory_space<hbm>> -> memref<16xf32, #tpu.memory_space<hbm>>
      %dma_start3A_87 = tpu.memref_slice %arg4[%mul3A_56] : memref<1024xf32, #tpu.memory_space<hbm>> -> memref<16xf32, #tpu.memory_space<hbm>>
      tpu.enqueue_dma source(%dma_start3A_87 : memref<16xf32, #tpu.memory_space<hbm>>) target(%arg11 : memref<16xf32, #tpu.memory_space<vmem>>) target_semaphore(%run_scoped3A : memref<!tpu.dma_semaphore, #tpu.memory_space<semaphore_mem>>)
      %dma_wait3A = tpu.memref_slice %arg4[%mul3A_56] : memref<1024xf32, #tpu.memory_space<hbm>> -> memref<16xf32, #tpu.memory_space<hbm>>
      %dma_wait3A_88 = tpu.memref_slice %arg4[%mul3A_56] : memref<1024xf32, #tpu.memory_space<hbm>> -> memref<16xf32, #tpu.memory_space<hbm>>
      tpu.wait_dma2 semaphore(%run_scoped3A : memref<!tpu.dma_semaphore, #tpu.memory_space<semaphore_mem>>) src(%dma_wait3A_88 : memref<16xf32, #tpu.memory_space<hbm>>) dst(%arg11 : memref<16xf32, #tpu.memory_space<vmem>>)
      tpu.yield
    }) : () -> ()
    %broadcast_in_dim3A_57 = arith.constant 6.64328218E-6 : f32
    %broadcast_in_dim3A_58 = vector.broadcast %broadcast_in_dim3A_57 : f32 to vector<16xf32>
    %get3A_59 = arith.constant 0 : index
    %get3A_60 = tpu.vector_load %arg11[%get3A_59] {strides = array<i32>} : memref<16xf32, #tpu.memory_space<vmem>>, vector<16xf32>,
    %reduce_sum3A_61 = arith.constant true
    %reduce_sum3A_62 = vector.broadcast %reduce_sum3A_61 : i1 to vector<16xi1>
    %reduce_sum3A_63 = tpu.scan <sum>, %get3A_60 masked %reduce_sum3A_62 : vector<16xf32>, vector<16xi1> -> vector<16xf32>
    %reduce_sum3A_64 = vector.extract %reduce_sum3A_63[15] : f32 from vector<16xf32>
    %mul3A_65 = vector.broadcast %reduce_sum3A_64 : f32 to vector<16xf32>
    %mul3A_66 = arith.mulf %broadcast_in_dim3A_58, %mul3A_65 : vector<16xf32>
    %broadcast_in_dim3A_67 = arith.constant 1.000000e-03 : f32
    %broadcast_in_dim3A_68 = vector.broadcast %broadcast_in_dim3A_67 : f32 to vector<16xf32>
    %broadcast_in_dim3A_69 = arith.constant 9.990000e-01 : f32
    %broadcast_in_dim3A_70 = vector.broadcast %broadcast_in_dim3A_69 : f32 to vector<16xf32>
    %add3A_71 = arith.constant 0 : i32
    %add3A_72 = arith.addi %mul3A_52, %add3A_71 : i32
    %scan3A_73 = arith.constant 0 : i32
    %scan3A_74 = arith.constant 0 : i32
    %scan3A_75 = arith.constant 14 : i32
    %scan3A_76 = arith.addi %scan3A_74, %scan3A_75 : i32
    %scan3A_77 = arith.constant 1 : i32
    scf.for %scan3A_87 = %scan3A_74 to %scan3A_76 step %scan3A_77  : i32 {
      %mul3A_88 = arith.constant 10752 : i32
      %mul3A_89 = arith.muli %scan3A_87, %mul3A_88 : i32
      %add3A_90 = arith.addi %mul3A_54, %mul3A_89 : i32
      "tpu.region"() ({
        %run_scoped3A = tpu.sem_alloc : memref<!tpu.dma_semaphore, #tpu.memory_space<semaphore_mem>>
        %dma_start3A = tpu.memref_slice %arg2[%add3A_90] : memref<9633792xf32, #tpu.memory_space<hbm>> -> memref<10752xf32, #tpu.memory_space<hbm>>
        %dma_start3A_100 = tpu.memref_slice %arg2[%add3A_90] : memref<9633792xf32, #tpu.memory_space<hbm>> -> memref<10752xf32, #tpu.memory_space<hbm>>
        tpu.enqueue_dma source(%dma_start3A_100 : memref<10752xf32, #tpu.memory_space<hbm>>) target(%arg7 : memref<10752xf32, #tpu.memory_space<vmem>>) target_semaphore(%run_scoped3A : memref<!tpu.dma_semaphore, #tpu.memory_space<semaphore_mem>>)
        %dma_wait3A = tpu.memref_slice %arg2[%add3A_90] : memref<9633792xf32, #tpu.memory_space<hbm>> -> memref<10752xf32, #tpu.memory_space<hbm>>
        %dma_wait3A_101 = tpu.memref_slice %arg2[%add3A_90] : memref<9633792xf32, #tpu.memory_space<hbm>> -> memref<10752xf32, #tpu.memory_space<hbm>>
        tpu.wait_dma2 semaphore(%run_scoped3A : memref<!tpu.dma_semaphore, #tpu.memory_space<semaphore_mem>>) src(%dma_wait3A_101 : memref<10752xf32, #tpu.memory_space<hbm>>) dst(%arg7 : memref<10752xf32, #tpu.memory_space<vmem>>)
        tpu.yield
      }) : () -> ()
      %mul3A_91 = arith.constant 10752 : i32
      %mul3A_92 = arith.muli %scan3A_87, %mul3A_91 : i32
      %add3A_93 = arith.addi %mul3A_52, %mul3A_92 : i32
      "tpu.region"() ({
        %run_scoped3A = tpu.sem_alloc : memref<!tpu.dma_semaphore, #tpu.memory_space<semaphore_mem>>
        %dma_start3A = tpu.memref_slice %arg3[%add3A_93] : memref<9633792xi32, #tpu.memory_space<hbm>> -> memref<10752xi32, #tpu.memory_space<hbm>>
        %dma_start3A_100 = tpu.memref_slice %arg3[%add3A_93] : memref<9633792xi32, #tpu.memory_space<hbm>> -> memref<10752xi32, #tpu.memory_space<hbm>>
        tpu.enqueue_dma source(%dma_start3A_100 : memref<10752xi32, #tpu.memory_space<hbm>>) target(%arg8 : memref<10752xi32, #tpu.memory_space<vmem>>) target_semaphore(%run_scoped3A : memref<!tpu.dma_semaphore, #tpu.memory_space<semaphore_mem>>)
        %dma_wait3A = tpu.memref_slice %arg3[%add3A_93] : memref<9633792xi32, #tpu.memory_space<hbm>> -> memref<10752xi32, #tpu.memory_space<hbm>>
        %dma_wait3A_101 = tpu.memref_slice %arg3[%add3A_93] : memref<9633792xi32, #tpu.memory_space<hbm>> -> memref<10752xi32, #tpu.memory_space<hbm>>
        tpu.wait_dma2 semaphore(%run_scoped3A : memref<!tpu.dma_semaphore, #tpu.memory_space<semaphore_mem>>) src(%dma_wait3A_101 : memref<10752xi32, #tpu.memory_space<hbm>>) dst(%arg8 : memref<10752xi32, #tpu.memory_space<vmem>>)
        tpu.yield
      }) : () -> ()
      %scan3A_94 = arith.constant 0 : i32
      %scan3A_95 = arith.constant 0 : i32
      %scan3A_96 = arith.constant 672 : i32
      %scan3A_97 = arith.addi %scan3A_95, %scan3A_96 : i32
      %scan3A_98 = arith.constant 1 : i32
      scf.for %scan3A_100 = %scan3A_95 to %scan3A_97 step %scan3A_98  : i32 {
        %mul3A_101 = arith.constant 16 : i32
        %mul3A_102 = arith.muli %scan3A_100, %mul3A_101 : i32
        %get3A_103 = arith.index_cast %mul3A_102 : i32 to index
        %get3A_104 = tpu.vector_load %arg7[%get3A_103] {strides = array<i32>} : memref<10752xf32, #tpu.memory_space<vmem>>, vector<16xf32>,
        %sub3A = arith.subf %get3A_104, %mul3A_66 : vector<16xf32>
        %add3A_105 = arith.constant 5.000000e-01 : f32
        %add3A_106 = vector.broadcast %add3A_105 : f32 to vector<16xf32>
        %add3A_107 = arith.addf %sub3A, %add3A_106 : vector<16xf32>
        %max3A = arith.maximumf %add3A_107, %broadcast_in_dim3A_68 : vector<16xf32>
        %min3A = arith.minimumf %max3A, %broadcast_in_dim3A_70 : vector<16xf32>
        %mul3A_108 = arith.constant 8.000000e-01 : f32
        %mul3A_109 = vector.broadcast %mul3A_108 : f32 to vector<16xf32>
        %mul3A_110 = arith.mulf %min3A, %mul3A_109 : vector<16xf32>
        %sub3A_111 = arith.constant 5.000000e-01 : f32
        %sub3A_112 = vector.broadcast %sub3A_111 : f32 to vector<16xf32>
        %sub3A_113 = arith.subf %mul3A_110, %sub3A_112 : vector<16xf32>
        %mul3A_114 = arith.constant 16 : i32
        %mul3A_115 = arith.muli %scan3A_100, %mul3A_114 : i32
        %get3A_116 = arith.index_cast %mul3A_115 : i32 to index
        %get3A_117 = tpu.vector_load %arg8[%get3A_116] {strides = array<i32>} : memref<10752xi32, #tpu.memory_space<vmem>>, vector<16xi32>,
        %sub3A_118 = vector.broadcast %add3A_72 : i32 to vector<16xi32>
        %sub3A_119 = arith.subi %get3A_117, %sub3A_118 : vector<16xi32>
        %ge3A = arith.constant 0 : i32
        %ge3A_120 = vector.broadcast %ge3A : i32 to vector<16xi32>
        %ge3A_121 = arith.cmpi sge, %sub3A_119, %ge3A_120 : vector<16xi32>
        %lt3A = arith.constant 75264 : i32
        %lt3A_122 = vector.broadcast %lt3A : i32 to vector<16xi32>
        %lt3A_123 = arith.cmpi slt, %sub3A_119, %lt3A_122 : vector<16xi32>
        %and3A = arith.andi %ge3A_121, %lt3A_123 : vector<16xi1>
        tpu.vector_store_idx %arg9[%sub3A_119], %sub3A_113 masked %and3A : memref<75264xf32, #tpu.memory_space<vmem>>[vector<16xi32>], vector<16xf32>, vector<16xi1>
      }
      %scan3A_99 = arith.constant 672 : i32
    }
    %scan3A_78 = arith.constant 14 : i32
    "tpu.region"() ({
      %run_scoped3A = tpu.sem_alloc : memref<!tpu.dma_semaphore, #tpu.memory_space<semaphore_mem>>
      %dma_start3A = tpu.memref_slice %arg6[%add3A_72] : memref<9633792xf32, #tpu.memory_space<hbm>> -> memref<75264xf32, #tpu.memory_space<hbm>>
      %dma_start3A_87 = tpu.memref_slice %arg6[%add3A_72] : memref<9633792xf32, #tpu.memory_space<hbm>> -> memref<75264xf32, #tpu.memory_space<hbm>>
      tpu.enqueue_dma source(%arg9 : memref<75264xf32, #tpu.memory_space<vmem>>) target(%dma_start3A_87 : memref<75264xf32, #tpu.memory_space<hbm>>) target_semaphore(%run_scoped3A : memref<!tpu.dma_semaphore, #tpu.memory_space<semaphore_mem>>)
      %dma_wait3A = tpu.memref_slice %arg6[%add3A_72] : memref<9633792xf32, #tpu.memory_space<hbm>> -> memref<75264xf32, #tpu.memory_space<hbm>>
      %dma_wait3A_88 = tpu.memref_slice %arg6[%add3A_72] : memref<9633792xf32, #tpu.memory_space<hbm>> -> memref<75264xf32, #tpu.memory_space<hbm>>
      tpu.wait_dma2 semaphore(%run_scoped3A : memref<!tpu.dma_semaphore, #tpu.memory_space<semaphore_mem>>) src(%arg9 : memref<75264xf32, #tpu.memory_space<vmem>>) dst(%dma_wait3A_88 : memref<75264xf32, #tpu.memory_space<hbm>>)
      tpu.yield
    }) : () -> ()
    %add3A_79 = arith.constant 75264 : i32
    %add3A_80 = arith.addi %mul3A_52, %add3A_79 : i32
    %scan3A_81 = arith.constant 0 : i32
    %scan3A_82 = arith.constant 0 : i32
    %scan3A_83 = arith.constant 14 : i32
    %scan3A_84 = arith.addi %scan3A_82, %scan3A_83 : i32
    %scan3A_85 = arith.constant 1 : i32
    scf.for %scan3A_87 = %scan3A_82 to %scan3A_84 step %scan3A_85  : i32 {
      %mul3A_88 = arith.constant 10752 : i32
      %mul3A_89 = arith.muli %scan3A_87, %mul3A_88 : i32
      %add3A_90 = arith.addi %mul3A_54, %mul3A_89 : i32
      "tpu.region"() ({
        %run_scoped3A = tpu.sem_alloc : memref<!tpu.dma_semaphore, #tpu.memory_space<semaphore_mem>>
        %dma_start3A = tpu.memref_slice %arg2[%add3A_90] : memref<9633792xf32, #tpu.memory_space<hbm>> -> memref<10752xf32, #tpu.memory_space<hbm>>
        %dma_start3A_100 = tpu.memref_slice %arg2[%add3A_90] : memref<9633792xf32, #tpu.memory_space<hbm>> -> memref<10752xf32, #tpu.memory_space<hbm>>
        tpu.enqueue_dma source(%dma_start3A_100 : memref<10752xf32, #tpu.memory_space<hbm>>) target(%arg7 : memref<10752xf32, #tpu.memory_space<vmem>>) target_semaphore(%run_scoped3A : memref<!tpu.dma_semaphore, #tpu.memory_space<semaphore_mem>>)
        %dma_wait3A = tpu.memref_slice %arg2[%add3A_90] : memref<9633792xf32, #tpu.memory_space<hbm>> -> memref<10752xf32, #tpu.memory_space<hbm>>
        %dma_wait3A_101 = tpu.memref_slice %arg2[%add3A_90] : memref<9633792xf32, #tpu.memory_space<hbm>> -> memref<10752xf32, #tpu.memory_space<hbm>>
        tpu.wait_dma2 semaphore(%run_scoped3A : memref<!tpu.dma_semaphore, #tpu.memory_space<semaphore_mem>>) src(%dma_wait3A_101 : memref<10752xf32, #tpu.memory_space<hbm>>) dst(%arg7 : memref<10752xf32, #tpu.memory_space<vmem>>)
        tpu.yield
      }) : () -> ()
      %mul3A_91 = arith.constant 10752 : i32
      %mul3A_92 = arith.muli %scan3A_87, %mul3A_91 : i32
      %add3A_93 = arith.addi %mul3A_52, %mul3A_92 : i32
      "tpu.region"() ({
        %run_scoped3A = tpu.sem_alloc : memref<!tpu.dma_semaphore, #tpu.memory_space<semaphore_mem>>
        %dma_start3A = tpu.memref_slice %arg3[%add3A_93] : memref<9633792xi32, #tpu.memory_space<hbm>> -> memref<10752xi32, #tpu.memory_space<hbm>>
        %dma_start3A_100 = tpu.memref_slice %arg3[%add3A_93] : memref<9633792xi32, #tpu.memory_space<hbm>> -> memref<10752xi32, #tpu.memory_space<hbm>>
        tpu.enqueue_dma source(%dma_start3A_100 : memref<10752xi32, #tpu.memory_space<hbm>>) target(%arg8 : memref<10752xi32, #tpu.memory_space<vmem>>) target_semaphore(%run_scoped3A : memref<!tpu.dma_semaphore, #tpu.memory_space<semaphore_mem>>)
        %dma_wait3A = tpu.memref_slice %arg3[%add3A_93] : memref<9633792xi32, #tpu.memory_space<hbm>> -> memref<10752xi32, #tpu.memory_space<hbm>>
        %dma_wait3A_101 = tpu.memref_slice %arg3[%add3A_93] : memref<9633792xi32, #tpu.memory_space<hbm>> -> memref<10752xi32, #tpu.memory_space<hbm>>
        tpu.wait_dma2 semaphore(%run_scoped3A : memref<!tpu.dma_semaphore, #tpu.memory_space<semaphore_mem>>) src(%dma_wait3A_101 : memref<10752xi32, #tpu.memory_space<hbm>>) dst(%arg8 : memref<10752xi32, #tpu.memory_space<vmem>>)
        tpu.yield
      }) : () -> ()
      %scan3A_94 = arith.constant 0 : i32
      %scan3A_95 = arith.constant 0 : i32
      %scan3A_96 = arith.constant 672 : i32
      %scan3A_97 = arith.addi %scan3A_95, %scan3A_96 : i32
      %scan3A_98 = arith.constant 1 : i32
      scf.for %scan3A_100 = %scan3A_95 to %scan3A_97 step %scan3A_98  : i32 {
        %mul3A_101 = arith.constant 16 : i32
        %mul3A_102 = arith.muli %scan3A_100, %mul3A_101 : i32
        %get3A_103 = arith.index_cast %mul3A_102 : i32 to index
        %get3A_104 = tpu.vector_load %arg7[%get3A_103] {strides = array<i32>} : memref<10752xf32, #tpu.memory_space<vmem>>, vector<16xf32>,
        %sub3A = arith.subf %get3A_104, %mul3A_66 : vector<16xf32>
        %add3A_105 = arith.constant 5.000000e-01 : f32
        %add3A_106 = vector.broadcast %add3A_105 : f32 to vector<16xf32>
        %add3A_107 = arith.addf %sub3A, %add3A_106 : vector<16xf32>
        %max3A = arith.maximumf %add3A_107, %broadcast_in_dim3A_68 : vector<16xf32>
        %min3A = arith.minimumf %max3A, %broadcast_in_dim3A_70 : vector<16xf32>
        %mul3A_108 = arith.constant 8.000000e-01 : f32
        %mul3A_109 = vector.broadcast %mul3A_108 : f32 to vector<16xf32>
        %mul3A_110 = arith.mulf %min3A, %mul3A_109 : vector<16xf32>
        %sub3A_111 = arith.constant 5.000000e-01 : f32
        %sub3A_112 = vector.broadcast %sub3A_111 : f32 to vector<16xf32>
        %sub3A_113 = arith.subf %mul3A_110, %sub3A_112 : vector<16xf32>
        %mul3A_114 = arith.constant 16 : i32
        %mul3A_115 = arith.muli %scan3A_100, %mul3A_114 : i32
        %get3A_116 = arith.index_cast %mul3A_115 : i32 to index
        %get3A_117 = tpu.vector_load %arg8[%get3A_116] {strides = array<i32>} : memref<10752xi32, #tpu.memory_space<vmem>>, vector<16xi32>,
        %sub3A_118 = vector.broadcast %add3A_80 : i32 to vector<16xi32>
        %sub3A_119 = arith.subi %get3A_117, %sub3A_118 : vector<16xi32>
        %ge3A = arith.constant 0 : i32
        %ge3A_120 = vector.broadcast %ge3A : i32 to vector<16xi32>
        %ge3A_121 = arith.cmpi sge, %sub3A_119, %ge3A_120 : vector<16xi32>
        %lt3A = arith.constant 75264 : i32
        %lt3A_122 = vector.broadcast %lt3A : i32 to vector<16xi32>
        %lt3A_123 = arith.cmpi slt, %sub3A_119, %lt3A_122 : vector<16xi32>
        %and3A = arith.andi %ge3A_121, %lt3A_123 : vector<16xi1>
        tpu.vector_store_idx %arg9[%sub3A_119], %sub3A_113 masked %and3A : memref<75264xf32, #tpu.memory_space<vmem>>[vector<16xi32>], vector<16xf32>, vector<16xi1>
      }
      %scan3A_99 = arith.constant 672 : i32
    }
    %scan3A_86 = arith.constant 14 : i32
    "tpu.region"() ({
      %run_scoped3A = tpu.sem_alloc : memref<!tpu.dma_semaphore, #tpu.memory_space<semaphore_mem>>
      %dma_start3A = tpu.memref_slice %arg6[%add3A_80] : memref<9633792xf32, #tpu.memory_space<hbm>> -> memref<75264xf32, #tpu.memory_space<hbm>>
      %dma_start3A_87 = tpu.memref_slice %arg6[%add3A_80] : memref<9633792xf32, #tpu.memory_space<hbm>> -> memref<75264xf32, #tpu.memory_space<hbm>>
      tpu.enqueue_dma source(%arg9 : memref<75264xf32, #tpu.memory_space<vmem>>) target(%dma_start3A_87 : memref<75264xf32, #tpu.memory_space<hbm>>) target_semaphore(%run_scoped3A : memref<!tpu.dma_semaphore, #tpu.memory_space<semaphore_mem>>)
      %dma_wait3A = tpu.memref_slice %arg6[%add3A_80] : memref<9633792xf32, #tpu.memory_space<hbm>> -> memref<75264xf32, #tpu.memory_space<hbm>>
      %dma_wait3A_88 = tpu.memref_slice %arg6[%add3A_80] : memref<9633792xf32, #tpu.memory_space<hbm>> -> memref<75264xf32, #tpu.memory_space<hbm>>
      tpu.wait_dma2 semaphore(%run_scoped3A : memref<!tpu.dma_semaphore, #tpu.memory_space<semaphore_mem>>) src(%arg9 : memref<75264xf32, #tpu.memory_space<vmem>>) dst(%dma_wait3A_88 : memref<75264xf32, #tpu.memory_space<hbm>>)
      tpu.yield
    }) : () -> ()
    return
  }
}

</mosaic_0001>

<sc_bundles>
// kernel: kernel.11.cloned.1.call-start
scs
__scs_entry_jumppad:
0x0: {  	(pc) =	sbr.rel $0x88, $3  }
0x1: {  	(tag) =	ssettag $0x0;
	lr =	simm.s32 $0x1  }
0x2: {  	[smem:$0x3FA0] =	sst lr;
	_ =	strace $0xD0000000  }
0x3: {  	_ = 	snop  }
0x4: {  	_ = 	snop  }
0x5: {  	_ = 	snop  }
0x6: {  	_ = 	snop  }
0x7: {  	_ = 	snop  }
__scs_overlays_trampoline_lowered:
0x8: {  	[smem:$0x3FAF] =	sst s0  }
0x9: {  	[smem:$0x3FB0] =	sst s1  }
0xa: {  	[smem:$0x3FB1] =	sst s2  }
0xb: {  	[smem:$0x3FB2] =	sst s3  }
0xc: {  	[smem:$0x3FB3] =	sst s4  }
0xd: {  	[smem:$0x3FB4] =	sst s5  }
0xe: {  	[smem:$0x3FB5] =	sst s6  }
0xf: {  	[smem:$0x3FB6] =	sst s7  }
0x10: {  	[smem:$0x3FB7] =	sst s8  }
0x11: {  	[smem:$0x3FB8] =	sst s9;
	s0 =	simm.s32 @!p0 $0x0  }
0x12: {  	s1 =	sld [smem:$0x3F9E];
	s0 =	simm.s32 @p0 $0x1  }
0x13: {  	[smem:$0x3FB9] =	sst s0;
	s0 =	simm.s32 @!p1 $0x0  }
0x14: {  	s2 =	sld [smem:$0x3F9D];
	s0 =	simm.s32 @p1 $0x1  }
0x15: {  	[smem:$0x3FBA] =	sst s0;
	s0 =	simm.s32 @!p2 $0x0  }
0x16: {  	s3 =	sld [smem:$0x3FDB];
	s0 =	simm.s32 @p2 $0x1  }
0x17: {  	s4 =	simm.s32 $0x1BF5;
	[smem:$0x3FBC] =	sst s0  }
0x18: {  	s0 =	sld [smem:$0x3F9F];
	_ =	swait.ge [sflag:s4], $0x0  }
0x19: {  	s7 =	sld [smem:$0x3FA0]  }
0x1a: {  	s8 =	sadd.s32 $0xFFFFE003, lr  }
0x1b: {  	s9 =	sadd.s32 $0xFFFFFEF7, lr;
	s5 =	simm.s32 $0xFFFFFFFF;
	p2 =	slt.u32 s8, $0xFFFFF086  }
0x1c: {  	p1 =	slt.u32 s9, $0xF7A;
	s5 =	simm.s32 @!p2 $0x0  }
0x1d: {  	s5 =	simm.s32 @p1 $0x1;
	p0 =	seq.s32 s7, s2  }
0x1e: {  	s7 =	smul.u32 @!p0 $0xF7A, s2;
	p2 =	seq.s32 @!p0 s5, $0x0  }
0x1f: {  	s9 =	smul.u32 $0xF7A, s1;
	s8 =	simm.s32 @!p0 $0x1BF5;
	p2 =	por !p2, p0  }
0x20: {  	[sflag:s8] =	ssyncset.s32 @!p0 $0xFFFFF086;
	s6 =	sadd.s32 @!p0 s3, s7;
	s7 =	simm.s32 @!p0 $0x108  }
0x21: {  	s3 =	sadd.s32 s3, s9;
	s6 =	sadd.s32 @!p0 $0x88, s6;
	s7 =	simm.s32 @p2 $0x1082  }
0x22: {  	[simem:s7], [sflag:s8] =	dma.local @!p0 [hbm:s6], $0xF7A  }
0x23: {  	s9 =	sor.u32 $0xD0000000, s2;
	s6 =	simm.s32 $0x108;
	_ =	swait.ge @!p0 [sflag:s8], $0x0  }
0x24: {  	s3 =	sadd.s32 $0x88, s3;
	s6 =	simm.s32 @!p1 $0x1082;
	[sflag:s4] =	ssyncset.s32 $0xFFFFF086  }
0x25: {  	[simem:s6], [sflag:s4] =	dma.local [hbm:s3], $0xF7A  }
0x26: {  	[smem:$0x3FA0] =	sst s1;
	(tag) =	ssettag s2;
	_ =	strace s9  }
0x27: {  	s1 =	sld [smem:$0x3FB0]  }
0x28: {  	s2 =	sld [smem:$0x3FB1]  }
0x29: {  	s4 =	sld [smem:$0x3FB3]  }
0x2a: {  	p0 =	seq.s32 s5, $0x0;
	s5 =	sld [smem:$0x3FB4]  }
0x2b: {  	s6 =	sld [smem:$0x3FB5]  }
0x2c: {  	s7 =	sld [smem:$0x3FB6]  }
0x2d: {  	s3 =	simm.s32 $0x108;
	s8 =	sld [smem:$0x3FB7]  }
0x2e: {  	s3 =	simm.s32 @!p0 $0x1082;
	s9 =	sld [smem:$0x3FB8]  }
0x2f: {  	lr =	sadd.s32 s0, s3;
	s0 =	sld [smem:$0x3FAF]  }
0x30: {  	s3 =	sld [smem:$0x3FB2]  }
0x31: {  	[smem:$0x3FBB] =	sst s10  }
0x32: {  	s10 =	sld [smem:$0x3FB9];
	_ =	sdelay $0x3  }
0x33: {  	p0 =	seq.s32 s10, $0x1;
	s10 =	sld [smem:$0x3FBB];
	_ =	sdelay $0x3  }
0x34: {  	[smem:$0x3FBB] =	sst s10  }
0x35: {  	s10 =	sld [smem:$0x3FBA];
	_ =	sdelay $0x3  }
0x36: {  	p1 =	seq.s32 s10, $0x1;
	s10 =	sld [smem:$0x3FBB];
	_ =	sdelay $0x3  }
0x37: {  	[smem:$0x3FBB] =	sst s10  }
0x38: {  	s10 =	sld [smem:$0x3FBC]  }
0x39: {  	_ = 	snop;
	(pc) =	sbr.ind lr, $3  }
0x3a: {  	_ = 	snop  }
0x3b: {  	_ = 	snop  }
0x3c: {  	p2 =	seq.s32 s10, $0x1;
	s10 =	sld [smem:$0x3FBB]  }
0x3d: {  	_ =	shalt  }
0x3e: {  	_ =	shalt  }
0x3f: {  	_ =	shalt  }
0x40: {  	_ =	shalt  }
0x41: {  	_ =	shalt  }
0x42: {  	_ =	shalt  }
0x43: {  	_ =	shalt  }
0x44: {  	_ =	shalt  }
0x45: {  	_ =	shalt  }
0x46: {  	_ =	shalt  }
0x47: {  	_ =	shalt  }
0x48: {  	_ =	shalt  }
0x49: {  	_ =	shalt  }
0x4a: {  	_ =	shalt  }
0x4b: {  	_ =	shalt  }
0x4c: {  	_ =	shalt  }
0x4d: {  	_ =	shalt  }
0x4e: {  	_ =	shalt  }
0x4f: {  	_ =	shalt  }
0x50: {  	_ =	shalt  }
0x51: {  	_ =	shalt  }
0x52: {  	_ =	shalt  }
0x53: {  	_ =	shalt  }
0x54: {  	_ =	shalt  }
0x55: {  	_ =	shalt  }
0x56: {  	_ =	shalt  }
0x57: {  	_ =	shalt  }
0x58: {  	_ =	shalt  }
0x59: {  	_ =	shalt  }
0x5a: {  	_ =	shalt  }
0x5b: {  	_ =	shalt  }
0x5c: {  	_ =	shalt  }
0x5d: {  	_ =	shalt  }
0x5e: {  	_ =	shalt  }
0x5f: {  	_ =	shalt  }
0x60: {  	_ =	shalt  }
0x61: {  	_ =	shalt  }
0x62: {  	_ =	shalt  }
0x63: {  	_ =	shalt  }
0x64: {  	_ =	shalt  }
0x65: {  	_ =	shalt  }
0x66: {  	_ =	shalt  }
0x67: {  	_ =	shalt  }
0x68: {  	_ =	shalt  }
0x69: {  	_ =	shalt  }
0x6a: {  	_ =	shalt  }
0x6b: {  	_ =	shalt  }
0x6c: {  	_ =	shalt  }
0x6d: {  	_ =	shalt  }
0x6e: {  	_ =	shalt  }
0x6f: {  	_ =	shalt  }
0x70: {  	_ =	shalt  }
0x71: {  	_ =	shalt  }
0x72: {  	_ =	shalt  }
0x73: {  	_ =	shalt  }
0x74: {  	_ =	shalt  }
0x75: {  	_ =	shalt  }
0x76: {  	_ =	shalt  }
0x77: {  	_ =	shalt  }
0x78: {  	_ =	shalt  }
0x79: {  	_ =	shalt  }
0x7a: {  	_ =	shalt  }
0x7b: {  	_ =	shalt  }
0x7c: {  	_ =	shalt  }
0x7d: {  	_ =	shalt  }
0x7e: {  	_ =	shalt  }
0x7f: {  	_ =	shalt  }
0x80: {  	_ =	shalt  }
0x81: {  	_ =	shalt  }
0x82: {  	_ =	shalt  }
0x83: {  	_ =	shalt  }
0x84: {  	_ =	shalt  }
0x85: {  	_ =	shalt  }
0x86: {  	_ =	shalt  }
0x87: {  	_ =	shalt  }
.Lfunc_end0:
.L_simem_size_0:
called_computation.2_lowered:
.L_overlay_start_0:
0x88: {  	s2 =	sld [smem:$0x3FD9]  }
0x89: {  	s3 =	sld [smem:$0x3FFE];
	_ =	sdelay $0x1  }
0x8a: {  	s1 =	srdreg.scid  }
0x8b: {  	s0 =	sand.u32 $0x1, s1  }
0x8c: {  	s17 =	sshll.u32 s0, $0xA;
	s2 =	sadd.s32 s3, s2  }
0x8d: {  	s2 =	sadd.s32 s2, s17  }
0x8e: {  	[smem:$0x3FC7] =	sst s2  }
0x8f: {  	_ = 	snop  }
0x90: {  	s2 =	sld [smem:$0x3FD0];
	(tm) =	ssettm $0x1  }
0x91: {  	s18 =	sld [smem:$0x3FFB];
	_ =	sdelay $0x3  }
0x92: {  	_ =	strace s18  }
0x93: {  	s3 =	sld [smem:$0x3FFC];
	_ =	sdelay $0x3  }
0x94: {  	_ =	strace s3  }
0x95: {  	s3 =	sld [smem:$0x3FFD];
	_ =	sdelay $0x3  }
0x96: {  	_ =	strace s3  }
0x97: {  	_ =	strace $0x8FFFFFFF  }
0x98: {  	s19 =	sld [smem:$0x3FDB];
	_ =	sdelay $0x1  }
0x99: {  	s4 =	simm.s32 $_scs_section_size  }
0x9a: {  	s5 =	simm.s32 $_size__tile_overlayer_lowered;
	s6 =	simm.s32 $_tile_overlayer_lowered  }
0x9b: {  	s22 =	simm.s32 $0x1BFF;
	s21 =	sshll.u32 s6, $0x1;
	s3 =	sadd.s32 s4, s19  }
0x9c: {  	s7 =	simm.s32 $0x0;
	s20 =	sshll.u32 s5, $0x1;
	s5 =	sadd.s32 s21, s3  }
0x9d: {  	[timem:s7], [sflag:s22] =	dma.local [hbm:s5], s20  }
0x9e: {  	_ =	swait.ge [sflag:s22], s20  }
0x9f: {  	s4 =	ssub.s32 $0x0, s20;
	[sflag:s22] =	ssyncset.done $0x0  }
0xa0: {  	[sflag:s22] =	ssyncadd.s32 s4;
	_ =	sdelay $0x1  }
0xa1: {  	s23 =	simm.s32 $0x1B8B  }
0xa2: {  	_ =	swait.ge [sflag:s23], $0x1  }
0xa3: {  	[sflag:s23] =	ssyncset.done $0x0  }
0xa4: {  	s25 =	simm.s32 $0x1B8E;
	s24 =	sld [smem:$0x3FFE];
	[sflag:s23] =	ssyncadd.s32 $0xFFFFFFFF  }
0xa5: {  	s26 =	simm.s32 $execute0_lowered;
	[smem:$0x3FD2] =	sst s25  }
0xa6: {  	s5 =	sshll.u32 s26, $0x1;
	_ =	strace $0x8000004C;
	[dreg:$0x1] =	wrdreg $0xFFFFFFFF  }
0xa7: {  	s28 =	simm.s32 $_size_execute0_lowered;
	s3 =	sadd.s32 s3, s5;
	[dreg:$0x0] =	wrdreg $0x0  }
0xa8: {  	s5 =	sshll.u32 s28, $0x1;
	[dreg:$0x2] =	wrdreg s3  }
0xa9: {  	[dreg:$0x3] =	wrdreg s5  }
0xaa: {  	[dreg:$0x4] =	wrdreg $0xC0  }
0xab: {  	_ =	task [dreg:s7], $0x5FFFF  }
0xac: {  	[dreg:$0x1] =	wrdreg $0xFFFFFFFF  }
0xad: {  	[dreg:$0x0] =	wrdreg $0x60  }
0xae: {  	[dreg:$0x2] =	wrdreg s2  }
0xaf: {  	[dreg:$0x3] =	wrdreg s24  }
0xb0: {  	[dreg:$0x4] =	wrdreg $0x9  }
0xb1: {  	_ =	task.clear_ibuf [dreg:s7], $0x5FFFF;
	_ =	strace $0x9000004C  }
0xb2: {  	s29 =	simm.s32 $0x9;
	_ =	strace $0x8000004E  }
0xb3: {  	_ =	swait.ge [sflag:s29], $0x1  }
0xb4: {  	[sflag:s29] =	ssyncadd.s32 $0xFFFFFFFF  }
0xb5: {  	_ =	strace $0x9000004E  }
0xb6: {  	_ =	sfence  }
0xb7: {  	s30 =	sld [smem:$0x0];
	_ =	sdelay $0x2  }
0xb8: {  	s31 =	sshll.u32 s1, $0xD;
	s1 =	sshrl.u32 s1, $0x2  }
0xb9: {  	s3 =	sand.u32 $0x4000, s31;
	s1 =	sadd.s32 s1, s30  }
0xba: {  	s0 =	sor.u32 s3, s0;
	s1 =	sshll.u32 s1, $0x11  }
0xbb: {  	s0 =	sor.u32 s1, s0  }
0xbc: {  	s0 =	sadd.s32 $0x8F2B, s0  }
0xbd: {  	[sflag:s0] =	ssyncadd.remote.s32 $0x1  }
0xbe: {  	_ =	sfence.sel $0xFFFF  }
0xbf: {  	[dreg:$0x0] =	wrdreg $0xFFFFFFFF;
	(pc) =	sbr.abs _section_cstart, $3  }
0xc0: {  	[dreg:$0x1] =	wrdreg $0xFFFFFFFF  }
0xc1: {  	_ =	task.clear_ibuf [dreg:s7], $0x2FFFF;
	_ =	strace $0x9FFFFFFF  }
0xc2: {  	(tm) =	ssettm $0x7FFFFFFF  }
0xc3: {  	_ =	shalt  }
tec
execute0_lowered:
.L_overlay_start_1:
0x0: {  	(tag) =	ssettag $0x1  }
0x1: {  	s1 =	rddreg [dreg:$0x0]  }
0x2: {  	s8 =	rddreg [dreg:$0x1]  }
0x3: {  	s0 =	rddreg [dreg:$0x2]  }
0x4: {  	s2 =	simm.s32 $0x0;
	s3 =	srdreg.scid;
	s17 =	simm.s32 $0x17E00  }
0x5: {  	s18 =	simm.s32 $0x2A00;
	[smem:$0x7FF] =	sst s2;
	s4 =	sadd.s32 $0x28D800, s8  }
0x6: {  	s7 =	sand.u32 $0x1, s3;
	s5 =	sadd.s32 $0x28D600, s8;
	s3 =	stileid.u32  }
0x7: {  	s6 =	sadd.s32 $0x1600, s8;
	s13 =	sadd.s32 $0x1800, s8;
	s9 =	sshll.u32 s7, $0x4  }
0x8: {  	_ =	strace $0x8000004D;
	s10 =	ssub.s32 $0x2, s7;
	s9 =	sor.u32 s3, s9  }
0x9: {  	s11 =	sshrl.u32 s10, $0x1;
	s7 =	smul.u32 $0x49800, s9;
	s12 =	sshllo.u32 s9, $0x1  }
0xa: {  	s14 =	ssub.s32 s10, s11;
	s16 =	sshll.u32 s9, $0x7;
	s8 =	smul.u32 $0x24C00, s12  }
0xb: {  	s21 =	sshll.u32 s12, $0x6;
	s29 =	sshrl.u32 s7, $0x3;
	s19 =	sadd.s32 $0x12600, s7  }
0xc: {  	s16 =	sshrl.u32 s16, $0x2;
	s9 =	sadd.s32 s13, s29;
	s30 =	sshrl.u32 s19, $0x3  }
0xd: {  	s20 =	sadd.s32 $0x12600, s8;
	s31 =	sshrl.u32 s8, $0x3;
	v1 =	vmov s19;
	s19 =	simm.s32 $0x5400  }
0xe: {  	s10 =	sadd.s32 s13, s30;
	s15 =	sshrl.u32 s20, $0x3;
	s11 =	sadd.s32 s13, s31  }
0xf: {  	v3 =	vmov s20;
	s20 =	sshrl.u32 s21, $0x2;
	s21 =	simm.s32 $0x0;
	s12 =	sadd.s32 s13, s15  }
0x10: {  	v0 =	vmov s7;
	v2 =	vmov s8;
	s13 =	smax.u32 s14, $0x1;
	s14 =	simm.s32 $0x17A00;
	s15 =	simm.s32 $0x1  }
.LBB2_1:
0x11: {  	[tilespmem:s14], [sflag:$0x1] =	stream.linear.gather [hbm4b:s6+s2], $0x400, $0x38;
	[tilespmem:$0x17E80] =	vst v63  }
0x12: {  	_ =	swait.ge [sflag:s15], $0x400  }
0x13: {  	[sflag:s15] =	ssyncset.done $0x0  }
0x14: {  	[sflag:s15] =	ssyncadd.s32 $0xFFFFFC00  }
0x15: {  	v4 =	vld [tilespmem:s16+$0x17A00];
	_ =	sdelay $0x4  }
0x16: {  	(v2sf) =	vpush v4, $0x0;
	_ =	sdelay $0xe  }
0x17: {  	s22 =	spop (v2sf)  }
0x18: {  	s23 =	sshll.u32 s22, $0x1  }
0x19: {  	s23 =	sand.u32 $0x1FFFFFFE, s23  }
0x1a: {  	s23 =	sadd.s32 s5, s23  }
0x1b: {  	[tilespmem:s17], [sflag:$0x1] =	stream.linear.gather [hbm4b:s23+s2], $0x10, $0x38;
	[tilespmem:$0x17E80] =	vst v63  }
0x1c: {  	_ =	swait.ge [sflag:s15], $0x10  }
0x1d: {  	[sflag:s15] =	ssyncset.done $0x0  }
0x1e: {  	[sflag:s15] =	ssyncadd.s32 $0xFFFFFFF0  }
0x1f: {  	v4 =	vld [tilespmem:$0x17E00];
	_ =	sdelay $0x4  }
0x20: {  	(xrf2) =	vadd.scan.msk.f32 $0xffff, v4;
	_ =	sdelay $0x9  }
0x21: {  	v4, _, _ =	vpop (xrf2)  }
0x22: {  	v4 =	vmul.f32 $6.643282180e-06, v4;
	_ =	sdelay $0x1  }
0x23: {  	s22 =	smul.u32 $0x24C00, s22;
	s23 =	simm.s32 $0x0;
	v4 =	vbroadcast v4, $0xF  }
.LBB2_2:
0x24: {  	s24 =	smul.u32 $0x2A00, s23;
	_ =	sdelay $0x1  }
0x25: {  	s25 =	sadd.s32 s22, s24  }
0x26: {  	s25 =	sshrl.u32 s25, $0x3  }
0x27: {  	s26 =	simm.s32 $0x0;
	s25 =	sadd.s32 s1, s25  }
0x28: {  	[tilespmem:s26], [sflag:$0x1] =	stream.linear.gather [hbm4b:s25+s26], $0x2A00, $0x38;
	[tilespmem:$0x17E80] =	vst v63  }
0x29: {  	s24 =	sadd.s32 s7, s24;
	_ =	swait.ge [sflag:s15], $0x2A00  }
0x2a: {  	s24 =	sshrl.u32 s24, $0x3;
	[sflag:s15] =	ssyncset.done $0x0  }
0x2b: {  	s24 =	sadd.s32 s4, s24;
	[sflag:s15] =	ssyncadd.s32 $0xFFFFD600  }
0x2c: {  	[tilespmem:s18], [sflag:$0x1] =	stream.linear.gather [hbm4b:s24+s26], $0x2A00, $0x38;
	[tilespmem:$0x17E80] =	vst v63  }
0x2d: {  	_ =	swait.ge [sflag:s15], $0x2A00  }
0x2e: {  	[sflag:s15] =	ssyncset.done $0x0  }
0x2f: {  	s25 =	simm.s32 $0x0;
	s24 =	simm.s32 $0x40;
	[sflag:s15] =	ssyncadd.s32 $0xFFFFD600  }
.LBB2_3:
0x30: {  	p0 =	sne.s32 s24, $0xA7C0;
	v5 =	vld [tilespmem:s25+$0x0];
	_ =	sdelay $0x2  }
0x31: {  	v6 =	vld [tilespmem:s25+$0x2A00];
	_ =	sdelay $0x1  }
0x32: {  	v5 =	vsub.f32 v5, v4;
	_ =	sdelay $0x1  }
0x33: {  	v5 =	vadd.f32 $5.000000000e-01, v5  }
0x34: {  	v7 =	vsub.s32 v6, v0;
	v6 =	vand.u32 $0x7F, v6  }
0x35: {  	v5 =	vmax.f32 v5, $1.000000050e-03;
	vm0 =	vlt.u32 v7, $0x12600;
	v7 =	vand.u32 $0xFFFFFF80, v7  }
0x36: {  	v5 =	vmin.f32 v5, $9.990000120e-01;
	v6 =	vor.u32 v6, v7  }
.Ltmp0:
0x37: {  	v5 =	vmul.f32 $8.000000110e-01, v5;
	(pc) =	sbr.rel @p0 .LBB2_3-.Ltmp0, $3  }
0x38: {  	_ = 	snop  }
0x39: {  	v5 =	vadd.f32 $-5.000000000e-01, v5;
	_ =	sdelay $0x1  }
0x3a: {  	s25 =	sshra.s32 s24, $0x2;
	s24 =	sadd.s32 $0x40, s24;
	[tilespmem:v6+s19+$0x0] =	vst.idx.msk vm0, v5  }
0x3b: {  	v5 =	vld [tilespmem:s25+$0x0];
	_ =	sdelay $0x2  }
0x3c: {  	v6 =	vld [tilespmem:s25+$0x2A00];
	_ =	sdelay $0x1  }
0x3d: {  	v5 =	vsub.f32 v5, v4;
	_ =	sdelay $0x1  }
0x3e: {  	v5 =	vadd.f32 $5.000000000e-01, v5  }
0x3f: {  	v7 =	vsub.s32 v6, v0;
	v6 =	vand.u32 $0x7F, v6  }
0x40: {  	s23 =	sadd.s32 $0x1, s23;
	vm0 =	vlt.u32 v7, $0x12600;
	v7 =	vand.u32 $0xFFFFFF80, v7;
	v5 =	vmax.f32 v5, $1.000000050e-03  }
0x41: {  	p0 =	sne.s32 s23, $0xE;
	v6 =	vor.u32 v6, v7;
	v5 =	vmin.f32 v5, $9.990000120e-01  }
.Ltmp1:
0x42: {  	v5 =	vmul.f32 $8.000000110e-01, v5;
	(pc) =	sbr.rel @p0 .LBB2_2-.Ltmp1, $3  }
0x43: {  	_ = 	snop  }
0x44: {  	v5 =	vadd.f32 $-5.000000000e-01, v5;
	_ =	sdelay $0x1  }
0x45: {  	[tilespmem:v6+s19+$0x0] =	vst.idx.msk vm0, v5  }
0x46: {  	s23 =	simm.s32 $0x0  }
0x47: {  	[hbm4b:s9+s23] =	stream.linear.scatter [tilespmem:s19], [sflag:$0x1], $0x12600, $0x38;
	[tilespmem:$0x17E80] =	vst v63  }
0x48: {  	_ =	swait.ge [sflag:s15], $0x12600  }
0x49: {  	[sflag:s15] =	ssyncset.done $0x0  }
0x4a: {  	s24 =	simm.s32 $0x0;
	[sflag:s15] =	ssyncadd.s32 $0xFFFEDA00  }
.LBB2_6:
0x4b: {  	s25 =	smul.u32 $0x2A00, s24;
	_ =	sdelay $0x1  }
0x4c: {  	s26 =	sadd.s32 s22, s25  }
0x4d: {  	s26 =	sshrl.u32 s26, $0x3  }
0x4e: {  	s26 =	sadd.s32 s1, s26  }
0x4f: {  	[tilespmem:s23], [sflag:$0x1] =	stream.linear.gather [hbm4b:s26+s23], $0x2A00, $0x38;
	[tilespmem:$0x17E80] =	vst v63  }
0x50: {  	s25 =	sadd.s32 s7, s25;
	_ =	swait.ge [sflag:s15], $0x2A00  }
0x51: {  	s25 =	sshrl.u32 s25, $0x3;
	[sflag:s15] =	ssyncset.done $0x0  }
0x52: {  	s25 =	sadd.s32 s4, s25;
	[sflag:s15] =	ssyncadd.s32 $0xFFFFD600  }
0x53: {  	[tilespmem:s18], [sflag:$0x1] =	stream.linear.gather [hbm4b:s25+s23], $0x2A00, $0x38;
	[tilespmem:$0x17E80] =	vst v63  }
0x54: {  	_ =	swait.ge [sflag:s15], $0x2A00  }
0x55: {  	[sflag:s15] =	ssyncset.done $0x0  }
0x56: {  	s26 =	simm.s32 $0x0;
	s25 =	simm.s32 $0x40;
	[sflag:s15] =	ssyncadd.s32 $0xFFFFD600  }
.LBB2_7:
0x57: {  	p0 =	sne.s32 s25, $0xA7C0;
	v5 =	vld [tilespmem:s26+$0x0];
	_ =	sdelay $0x2  }
0x58: {  	v6 =	vld [tilespmem:s26+$0x2A00];
	_ =	sdelay $0x1  }
0x59: {  	v5 =	vsub.f32 v5, v4;
	_ =	sdelay $0x1  }
0x5a: {  	v5 =	vadd.f32 $5.000000000e-01, v5  }
0x5b: {  	v7 =	vsub.s32 v6, v1;
	v6 =	vand.u32 $0x7F, v6  }
0x5c: {  	v5 =	vmax.f32 v5, $1.000000050e-03;
	vm0 =	vlt.u32 v7, $0x12600;
	v7 =	vand.u32 $0xFFFFFF80, v7  }
0x5d: {  	v5 =	vmin.f32 v5, $9.990000120e-01;
	v6 =	vor.u32 v6, v7  }
.Ltmp2:
0x5e: {  	v5 =	vmul.f32 $8.000000110e-01, v5;
	(pc) =	sbr.rel @p0 .LBB2_7-.Ltmp2, $3  }
0x5f: {  	_ = 	snop  }
0x60: {  	v5 =	vadd.f32 $-5.000000000e-01, v5;
	_ =	sdelay $0x1  }
0x61: {  	s26 =	sshra.s32 s25, $0x2;
	s25 =	sadd.s32 $0x40, s25;
	[tilespmem:v6+s19+$0x0] =	vst.idx.msk vm0, v5  }
0x62: {  	v5 =	vld [tilespmem:s26+$0x0];
	_ =	sdelay $0x2  }
0x63: {  	v6 =	vld [tilespmem:s26+$0x2A00];
	_ =	sdelay $0x1  }
0x64: {  	v5 =	vsub.f32 v5, v4;
	_ =	sdelay $0x1  }
0x65: {  	v5 =	vadd.f32 $5.000000000e-01, v5  }
0x66: {  	v7 =	vsub.s32 v6, v1;
	v6 =	vand.u32 $0x7F, v6  }
0x67: {  	s24 =	sadd.s32 $0x1, s24;
	vm0 =	vlt.u32 v7, $0x12600;
	v7 =	vand.u32 $0xFFFFFF80, v7;
	v5 =	vmax.f32 v5, $1.000000050e-03  }
0x68: {  	p0 =	sne.s32 s24, $0xE;
	v6 =	vor.u32 v6, v7;
	v5 =	vmin.f32 v5, $9.990000120e-01  }
.Ltmp3:
0x69: {  	v5 =	vmul.f32 $8.000000110e-01, v5;
	(pc) =	sbr.rel @p0 .LBB2_6-.Ltmp3, $3  }
0x6a: {  	_ = 	snop  }
0x6b: {  	v5 =	vadd.f32 $-5.000000000e-01, v5;
	_ =	sdelay $0x1  }
0x6c: {  	[tilespmem:v6+s19+$0x0] =	vst.idx.msk vm0, v5  }
0x6d: {  	s23 =	simm.s32 $0x0  }
0x6e: {  	[hbm4b:s10+s23] =	stream.linear.scatter [tilespmem:s19], [sflag:$0x1], $0x12600, $0x38;
	[tilespmem:$0x17E80] =	vst v63  }
0x6f: {  	_ =	swait.ge [sflag:s15], $0x12600  }
0x70: {  	[sflag:s15] =	ssyncset.done $0x0  }
0x71: {  	[sflag:s15] =	ssyncadd.s32 $0xFFFEDA00  }
0x72: {  	v4 =	vld [tilespmem:s20+$0x17A00];
	_ =	sdelay $0x4  }
0x73: {  	(v2sf) =	vpush v4, $0x0;
	_ =	sdelay $0xe  }
0x74: {  	s22 =	spop (v2sf)  }
0x75: {  	s24 =	sshll.u32 s22, $0x1  }
0x76: {  	s24 =	sand.u32 $0x1FFFFFFE, s24  }
0x77: {  	s24 =	sadd.s32 s5, s24  }
0x78: {  	[tilespmem:s17], [sflag:$0x1] =	stream.linear.gather [hbm4b:s24+s23], $0x10, $0x38;
	[tilespmem:$0x17E80] =	vst v63  }
0x79: {  	_ =	swait.ge [sflag:s15], $0x10  }
0x7a: {  	[sflag:s15] =	ssyncset.done $0x0  }
0x7b: {  	[sflag:s15] =	ssyncadd.s32 $0xFFFFFFF0  }
0x7c: {  	v4 =	vld [tilespmem:$0x17E00];
	_ =	sdelay $0x4  }
0x7d: {  	(xrf2) =	vadd.scan.msk.f32 $0xffff, v4;
	_ =	sdelay $0x9  }
0x7e: {  	v4, _, _ =	vpop (xrf2)  }
0x7f: {  	v4 =	vmul.f32 $6.643282180e-06, v4;
	_ =	sdelay $0x1  }
0x80: {  	s22 =	smul.u32 $0x24C00, s22;
	s24 =	simm.s32 $0x0;
	v4 =	vbroadcast v4, $0xF  }
.LBB2_10:
0x81: {  	s25 =	smul.u32 $0x2A00, s24;
	_ =	sdelay $0x1  }
0x82: {  	s26 =	sadd.s32 s22, s25  }
0x83: {  	s26 =	sshrl.u32 s26, $0x3  }
0x84: {  	s26 =	sadd.s32 s1, s26  }
0x85: {  	[tilespmem:s23], [sflag:$0x1] =	stream.linear.gather [hbm4b:s26+s23], $0x2A00, $0x38;
	[tilespmem:$0x17E80] =	vst v63  }
0x86: {  	s25 =	sadd.s32 s8, s25;
	_ =	swait.ge [sflag:s15], $0x2A00  }
0x87: {  	s25 =	sshrl.u32 s25, $0x3;
	[sflag:s15] =	ssyncset.done $0x0  }
0x88: {  	s25 =	sadd.s32 s4, s25;
	[sflag:s15] =	ssyncadd.s32 $0xFFFFD600  }
0x89: {  	[tilespmem:s18], [sflag:$0x1] =	stream.linear.gather [hbm4b:s25+s23], $0x2A00, $0x38;
	[tilespmem:$0x17E80] =	vst v63  }
0x8a: {  	_ =	swait.ge [sflag:s15], $0x2A00  }
0x8b: {  	[sflag:s15] =	ssyncset.done $0x0  }
0x8c: {  	s26 =	simm.s32 $0x0;
	s25 =	simm.s32 $0x40;
	[sflag:s15] =	ssyncadd.s32 $0xFFFFD600  }
.LBB2_11:
0x8d: {  	p0 =	sne.s32 s25, $0xA7C0;
	v5 =	vld [tilespmem:s26+$0x0];
	_ =	sdelay $0x2  }
0x8e: {  	v6 =	vld [tilespmem:s26+$0x2A00];
	_ =	sdelay $0x1  }
0x8f: {  	v5 =	vsub.f32 v5, v4;
	_ =	sdelay $0x1  }
0x90: {  	v5 =	vadd.f32 $5.000000000e-01, v5  }
0x91: {  	v7 =	vsub.s32 v6, v2;
	v6 =	vand.u32 $0x7F, v6  }
0x92: {  	v5 =	vmax.f32 v5, $1.000000050e-03;
	vm0 =	vlt.u32 v7, $0x12600;
	v7 =	vand.u32 $0xFFFFFF80, v7  }
0x93: {  	v5 =	vmin.f32 v5, $9.990000120e-01;
	v6 =	vor.u32 v6, v7  }
.Ltmp4:
0x94: {  	v5 =	vmul.f32 $8.000000110e-01, v5;
	(pc) =	sbr.rel @p0 .LBB2_11-.Ltmp4, $3  }
0x95: {  	_ = 	snop  }
0x96: {  	v5 =	vadd.f32 $-5.000000000e-01, v5;
	_ =	sdelay $0x1  }
0x97: {  	s26 =	sshra.s32 s25, $0x2;
	s25 =	sadd.s32 $0x40, s25;
	[tilespmem:v6+s19+$0x0] =	vst.idx.msk vm0, v5  }
0x98: {  	v5 =	vld [tilespmem:s26+$0x0];
	_ =	sdelay $0x2  }
0x99: {  	v6 =	vld [tilespmem:s26+$0x2A00];
	_ =	sdelay $0x1  }
0x9a: {  	v5 =	vsub.f32 v5, v4;
	_ =	sdelay $0x1  }
0x9b: {  	v5 =	vadd.f32 $5.000000000e-01, v5  }
0x9c: {  	v7 =	vsub.s32 v6, v2;
	v6 =	vand.u32 $0x7F, v6  }
0x9d: {  	s24 =	sadd.s32 $0x1, s24;
	vm0 =	vlt.u32 v7, $0x12600;
	v7 =	vand.u32 $0xFFFFFF80, v7;
	v5 =	vmax.f32 v5, $1.000000050e-03  }
0x9e: {  	p0 =	sne.s32 s24, $0xE;
	v6 =	vor.u32 v6, v7;
	v5 =	vmin.f32 v5, $9.990000120e-01  }
.Ltmp5:
0x9f: {  	v5 =	vmul.f32 $8.000000110e-01, v5;
	(pc) =	sbr.rel @p0 .LBB2_10-.Ltmp5, $3  }
0xa0: {  	_ = 	snop  }
0xa1: {  	v5 =	vadd.f32 $-5.000000000e-01, v5;
	_ =	sdelay $0x1  }
0xa2: {  	[tilespmem:v6+s19+$0x0] =	vst.idx.msk vm0, v5  }
0xa3: {  	s23 =	simm.s32 $0x0  }
0xa4: {  	[hbm4b:s11+s23] =	stream.linear.scatter [tilespmem:s19], [sflag:$0x1], $0x12600, $0x38;
	[tilespmem:$0x17E80] =	vst v63  }
0xa5: {  	_ =	swait.ge [sflag:s15], $0x12600  }
0xa6: {  	[sflag:s15] =	ssyncset.done $0x0  }
0xa7: {  	s24 =	simm.s32 $0x0;
	[sflag:s15] =	ssyncadd.s32 $0xFFFEDA00  }
.LBB2_14:
0xa8: {  	s25 =	smul.u32 $0x2A00, s24;
	_ =	sdelay $0x1  }
0xa9: {  	s26 =	sadd.s32 s22, s25  }
0xaa: {  	s26 =	sshrl.u32 s26, $0x3  }
0xab: {  	s26 =	sadd.s32 s1, s26  }
0xac: {  	[tilespmem:s23], [sflag:$0x1] =	stream.linear.gather [hbm4b:s26+s23], $0x2A00, $0x38;
	[tilespmem:$0x17E80] =	vst v63  }
0xad: {  	s25 =	sadd.s32 s8, s25;
	_ =	swait.ge [sflag:s15], $0x2A00  }
0xae: {  	s25 =	sshrl.u32 s25, $0x3;
	[sflag:s15] =	ssyncset.done $0x0  }
0xaf: {  	s25 =	sadd.s32 s4, s25;
	[sflag:s15] =	ssyncadd.s32 $0xFFFFD600  }
0xb0: {  	[tilespmem:s18], [sflag:$0x1] =	stream.linear.gather [hbm4b:s25+s23], $0x2A00, $0x38;
	[tilespmem:$0x17E80] =	vst v63  }
0xb1: {  	_ =	swait.ge [sflag:s15], $0x2A00  }
0xb2: {  	[sflag:s15] =	ssyncset.done $0x0  }
0xb3: {  	s26 =	simm.s32 $0x0;
	s25 =	simm.s32 $0x40;
	[sflag:s15] =	ssyncadd.s32 $0xFFFFD600  }
.LBB2_15:
0xb4: {  	p0 =	sne.s32 s25, $0xA7C0;
	v5 =	vld [tilespmem:s26+$0x0];
	_ =	sdelay $0x2  }
0xb5: {  	v6 =	vld [tilespmem:s26+$0x2A00];
	_ =	sdelay $0x1  }
0xb6: {  	v5 =	vsub.f32 v5, v4;
	_ =	sdelay $0x1  }
0xb7: {  	v5 =	vadd.f32 $5.000000000e-01, v5  }
0xb8: {  	v7 =	vsub.s32 v6, v3;
	v6 =	vand.u32 $0x7F, v6  }
0xb9: {  	v5 =	vmax.f32 v5, $1.000000050e-03;
	vm0 =	vlt.u32 v7, $0x12600;
	v7 =	vand.u32 $0xFFFFFF80, v7  }
0xba: {  	v5 =	vmin.f32 v5, $9.990000120e-01;
	v6 =	vor.u32 v6, v7  }
.Ltmp6:
0xbb: {  	v5 =	vmul.f32 $8.000000110e-01, v5;
	(pc) =	sbr.rel @p0 .LBB2_15-.Ltmp6, $3  }
0xbc: {  	_ = 	snop  }
0xbd: {  	v5 =	vadd.f32 $-5.000000000e-01, v5;
	_ =	sdelay $0x1  }
0xbe: {  	s26 =	sshra.s32 s25, $0x2;
	s25 =	sadd.s32 $0x40, s25;
	[tilespmem:v6+s19+$0x0] =	vst.idx.msk vm0, v5  }
0xbf: {  	v5 =	vld [tilespmem:s26+$0x0];
	_ =	sdelay $0x2  }
0xc0: {  	v6 =	vld [tilespmem:s26+$0x2A00];
	_ =	sdelay $0x1  }
0xc1: {  	v5 =	vsub.f32 v5, v4;
	_ =	sdelay $0x1  }
0xc2: {  	v5 =	vadd.f32 $5.000000000e-01, v5  }
0xc3: {  	v7 =	vsub.s32 v6, v3;
	v6 =	vand.u32 $0x7F, v6  }
0xc4: {  	s24 =	sadd.s32 $0x1, s24;
	vm0 =	vlt.u32 v7, $0x12600;
	v7 =	vand.u32 $0xFFFFFF80, v7;
	v5 =	vmax.f32 v5, $1.000000050e-03  }
0xc5: {  	p0 =	sne.s32 s24, $0xE;
	v6 =	vor.u32 v6, v7;
	v5 =	vmin.f32 v5, $9.990000120e-01  }
.Ltmp7:
0xc6: {  	v5 =	vmul.f32 $8.000000110e-01, v5;
	(pc) =	sbr.rel @p0 .LBB2_14-.Ltmp7, $3  }
0xc7: {  	_ = 	snop  }
0xc8: {  	v5 =	vadd.f32 $-5.000000000e-01, v5;
	_ =	sdelay $0x1  }
0xc9: {  	[tilespmem:v6+s19+$0x0] =	vst.idx.msk vm0, v5  }
0xca: {  	s21 =	sadd.s32 $0x1, s21  }
0xcb: {  	p0 =	sne.s32 s21, s13  }
.Ltmp8:
0xcc: {  	_ = 	snop;
	(pc) =	sbr.rel @p0 .LBB2_1-.Ltmp8, $4  }
0xcd: {  	[hbm4b:s12+s2] =	stream.linear.scatter [tilespmem:s19], [sflag:$0x1], $0x12600, $0x38;
	[tilespmem:$0x17E80] =	vst v63  }
0xce: {  	_ =	swait.ge [sflag:s15], $0x12600  }
0xcf: {  	[sflag:s15] =	ssyncset.done $0x0  }
0xd0: {  	[sflag:s15] =	ssyncadd.s32 $0xFFFEDA00  }
0xd1: {  	_ =	sfence.sel $0x180000  }
0xd2: {  	[bflag:$0x0] =	sbarrier.arrive $0xFFFF  }
0xd3: {  	p0 =	sne.s32 s3, $0x0;
	_ =	strace $0x9000004D  }
0xd4: {  	s0 =	sadd.s32 @!p0 $0x100000, s0;
	[bflag:$0x2] =	sbarrier.arrive $0xFFFF  }
0xd5: {  	[sflag:s0] =	ssyncadd.tile.s32 @!p0 $0x1;
	_ =	shalt  }
.Lfunc_end2:
_tile_overlayer_lowered:
.L_overlay_start_2:
0xd6: {  	(tag) =	ssettag $0x2  }
0xd7: {  	s0 =	rddreg [dreg:$0x0];
	s2 =	stileid.u32  }
0xd8: {  	s1 =	rddreg [dreg:$0x1];
	p0 =	sne.s32 s2, $0x0  }
0xd9: {  	s3 =	rddreg [dreg:$0x2];
	[bflag:$0x3] =	sbarrier.arrive $0xFFFF;
	s2 =	simm.s32 @!p0 $0x1C01  }
0xda: {  	[timem:s3], [sflag:s2] =	dma.local @!p0 [hbm:s0], s1  }
0xdb: {  	s0 =	simm.s32 @!p0 $0x1  }
0xdc: {  	_ =	swait.ge @!p0 [sflag:s0], s1  }
0xdd: {  	s1 =	ssub.s32 @!p0 $0x0, s1;
	[sflag:s0] =	ssyncset.done @!p0 $0x0  }
0xde: {  	[sflag:s0] =	ssyncadd.s32 @!p0 s1  }
0xdf: {  	[bflag:$0x3] =	sbarrier.arrive $0xFFFF  }
0xe0: {  	_ =	shalt  }

// kernel: kernel.5.cloned.1.call-start
scs
__scs_entry_jumppad:
0x0: {  	(pc) =	sbr.rel $0x88, $3  }
0x1: {  	(tag) =	ssettag $0x0;
	lr =	simm.s32 $0x1  }
0x2: {  	[smem:$0x3FA0] =	sst lr;
	_ =	strace $0xD0000000  }
0x3: {  	_ = 	snop  }
0x4: {  	_ = 	snop  }
0x5: {  	_ = 	snop  }
0x6: {  	_ = 	snop  }
0x7: {  	_ = 	snop  }
__scs_overlays_trampoline_lowered:
0x8: {  	[smem:$0x3FAF] =	sst s0  }
0x9: {  	[smem:$0x3FB0] =	sst s1  }
0xa: {  	[smem:$0x3FB1] =	sst s2  }
0xb: {  	[smem:$0x3FB2] =	sst s3  }
0xc: {  	[smem:$0x3FB3] =	sst s4  }
0xd: {  	[smem:$0x3FB4] =	sst s5  }
0xe: {  	[smem:$0x3FB5] =	sst s6  }
0xf: {  	[smem:$0x3FB6] =	sst s7  }
0x10: {  	[smem:$0x3FB7] =	sst s8  }
0x11: {  	[smem:$0x3FB8] =	sst s9;
	s0 =	simm.s32 @!p0 $0x0  }
0x12: {  	s1 =	sld [smem:$0x3F9E];
	s0 =	simm.s32 @p0 $0x1  }
0x13: {  	[smem:$0x3FB9] =	sst s0;
	s0 =	simm.s32 @!p1 $0x0  }
0x14: {  	s2 =	sld [smem:$0x3F9D];
	s0 =	simm.s32 @p1 $0x1  }
0x15: {  	[smem:$0x3FBA] =	sst s0;
	s0 =	simm.s32 @!p2 $0x0  }
0x16: {  	s3 =	sld [smem:$0x3FDB];
	s0 =	simm.s32 @p2 $0x1  }
0x17: {  	s4 =	simm.s32 $0x1BF5;
	[smem:$0x3FBC] =	sst s0  }
0x18: {  	s0 =	sld [smem:$0x3F9F];
	_ =	swait.ge [sflag:s4], $0x0  }
0x19: {  	s7 =	sld [smem:$0x3FA0]  }
0x1a: {  	s8 =	sadd.s32 $0xFFFFE003, lr  }
0x1b: {  	s9 =	sadd.s32 $0xFFFFFEF7, lr;
	s5 =	simm.s32 $0xFFFFFFFF;
	p2 =	slt.u32 s8, $0xFFFFF086  }
0x1c: {  	p1 =	slt.u32 s9, $0xF7A;
	s5 =	simm.s32 @!p2 $0x0  }
0x1d: {  	s5 =	simm.s32 @p1 $0x1;
	p0 =	seq.s32 s7, s2  }
0x1e: {  	s7 =	smul.u32 @!p0 $0xF7A, s2;
	p2 =	seq.s32 @!p0 s5, $0x0  }
0x1f: {  	s9 =	smul.u32 $0xF7A, s1;
	s8 =	simm.s32 @!p0 $0x1BF5;
	p2 =	por !p2, p0  }
0x20: {  	[sflag:s8] =	ssyncset.s32 @!p0 $0xFFFFF086;
	s6 =	sadd.s32 @!p0 s3, s7;
	s7 =	simm.s32 @!p0 $0x108  }
0x21: {  	s3 =	sadd.s32 s3, s9;
	s6 =	sadd.s32 @!p0 $0x88, s6;
	s7 =	simm.s32 @p2 $0x1082  }
0x22: {  	[simem:s7], [sflag:s8] =	dma.local @!p0 [hbm:s6], $0xF7A  }
0x23: {  	s9 =	sor.u32 $0xD0000000, s2;
	s6 =	simm.s32 $0x108;
	_ =	swait.ge @!p0 [sflag:s8], $0x0  }
0x24: {  	s3 =	sadd.s32 $0x88, s3;
	s6 =	simm.s32 @!p1 $0x1082;
	[sflag:s4] =	ssyncset.s32 $0xFFFFF086  }
0x25: {  	[simem:s6], [sflag:s4] =	dma.local [hbm:s3], $0xF7A  }
0x26: {  	[smem:$0x3FA0] =	sst s1;
	(tag) =	ssettag s2;
	_ =	strace s9  }
0x27: {  	s1 =	sld [smem:$0x3FB0]  }
0x28: {  	s2 =	sld [smem:$0x3FB1]  }
0x29: {  	s4 =	sld [smem:$0x3FB3]  }
0x2a: {  	p0 =	seq.s32 s5, $0x0;
	s5 =	sld [smem:$0x3FB4]  }
0x2b: {  	s6 =	sld [smem:$0x3FB5]  }
0x2c: {  	s7 =	sld [smem:$0x3FB6]  }
0x2d: {  	s3 =	simm.s32 $0x108;
	s8 =	sld [smem:$0x3FB7]  }
0x2e: {  	s3 =	simm.s32 @!p0 $0x1082;
	s9 =	sld [smem:$0x3FB8]  }
0x2f: {  	lr =	sadd.s32 s0, s3;
	s0 =	sld [smem:$0x3FAF]  }
0x30: {  	s3 =	sld [smem:$0x3FB2]  }
0x31: {  	[smem:$0x3FBB] =	sst s10  }
0x32: {  	s10 =	sld [smem:$0x3FB9];
	_ =	sdelay $0x3  }
0x33: {  	p0 =	seq.s32 s10, $0x1;
	s10 =	sld [smem:$0x3FBB];
	_ =	sdelay $0x3  }
0x34: {  	[smem:$0x3FBB] =	sst s10  }
0x35: {  	s10 =	sld [smem:$0x3FBA];
	_ =	sdelay $0x3  }
0x36: {  	p1 =	seq.s32 s10, $0x1;
	s10 =	sld [smem:$0x3FBB];
	_ =	sdelay $0x3  }
0x37: {  	[smem:$0x3FBB] =	sst s10  }
0x38: {  	s10 =	sld [smem:$0x3FBC]  }
0x39: {  	_ = 	snop;
	(pc) =	sbr.ind lr, $3  }
0x3a: {  	_ = 	snop  }
0x3b: {  	_ = 	snop  }
0x3c: {  	p2 =	seq.s32 s10, $0x1;
	s10 =	sld [smem:$0x3FBB]  }
0x3d: {  	_ =	shalt  }
0x3e: {  	_ =	shalt  }
0x3f: {  	_ =	shalt  }
0x40: {  	_ =	shalt  }
0x41: {  	_ =	shalt  }
0x42: {  	_ =	shalt  }
0x43: {  	_ =	shalt  }
0x44: {  	_ =	shalt  }
0x45: {  	_ =	shalt  }
0x46: {  	_ =	shalt  }
0x47: {  	_ =	shalt  }
0x48: {  	_ =	shalt  }
0x49: {  	_ =	shalt  }
0x4a: {  	_ =	shalt  }
0x4b: {  	_ =	shalt  }
0x4c: {  	_ =	shalt  }
0x4d: {  	_ =	shalt  }
0x4e: {  	_ =	shalt  }
0x4f: {  	_ =	shalt  }
0x50: {  	_ =	shalt  }
0x51: {  	_ =	shalt  }
0x52: {  	_ =	shalt  }
0x53: {  	_ =	shalt  }
0x54: {  	_ =	shalt  }
0x55: {  	_ =	shalt  }
0x56: {  	_ =	shalt  }
0x57: {  	_ =	shalt  }
0x58: {  	_ =	shalt  }
0x59: {  	_ =	shalt  }
0x5a: {  	_ =	shalt  }
0x5b: {  	_ =	shalt  }
0x5c: {  	_ =	shalt  }
0x5d: {  	_ =	shalt  }
0x5e: {  	_ =	shalt  }
0x5f: {  	_ =	shalt  }
0x60: {  	_ =	shalt  }
0x61: {  	_ =	shalt  }
0x62: {  	_ =	shalt  }
0x63: {  	_ =	shalt  }
0x64: {  	_ =	shalt  }
0x65: {  	_ =	shalt  }
0x66: {  	_ =	shalt  }
0x67: {  	_ =	shalt  }
0x68: {  	_ =	shalt  }
0x69: {  	_ =	shalt  }
0x6a: {  	_ =	shalt  }
0x6b: {  	_ =	shalt  }
0x6c: {  	_ =	shalt  }
0x6d: {  	_ =	shalt  }
0x6e: {  	_ =	shalt  }
0x6f: {  	_ =	shalt  }
0x70: {  	_ =	shalt  }
0x71: {  	_ =	shalt  }
0x72: {  	_ =	shalt  }
0x73: {  	_ =	shalt  }
0x74: {  	_ =	shalt  }
0x75: {  	_ =	shalt  }
0x76: {  	_ =	shalt  }
0x77: {  	_ =	shalt  }
0x78: {  	_ =	shalt  }
0x79: {  	_ =	shalt  }
0x7a: {  	_ =	shalt  }
0x7b: {  	_ =	shalt  }
0x7c: {  	_ =	shalt  }
0x7d: {  	_ =	shalt  }
0x7e: {  	_ =	shalt  }
0x7f: {  	_ =	shalt  }
0x80: {  	_ =	shalt  }
0x81: {  	_ =	shalt  }
0x82: {  	_ =	shalt  }
0x83: {  	_ =	shalt  }
0x84: {  	_ =	shalt  }
0x85: {  	_ =	shalt  }
0x86: {  	_ =	shalt  }
0x87: {  	_ =	shalt  }
.Lfunc_end0:
.L_simem_size_0:
called_computation_lowered:
.L_overlay_start_0:
0x88: {  	s2 =	sld [smem:$0x3FD9]  }
0x89: {  	s3 =	sld [smem:$0x3FFE];
	_ =	sdelay $0x1  }
0x8a: {  	s1 =	srdreg.scid  }
0x8b: {  	s0 =	sand.u32 $0x1, s1  }
0x8c: {  	s17 =	sshll.u32 s0, $0xA;
	s2 =	sadd.s32 s3, s2  }
0x8d: {  	s2 =	sadd.s32 s2, s17  }
0x8e: {  	[smem:$0x3FC7] =	sst s2  }
0x8f: {  	_ = 	snop  }
0x90: {  	s2 =	sld [smem:$0x3FD0];
	(tm) =	ssettm $0x1  }
0x91: {  	s18 =	sld [smem:$0x3FFB];
	_ =	sdelay $0x3  }
0x92: {  	_ =	strace s18  }
0x93: {  	s3 =	sld [smem:$0x3FFC];
	_ =	sdelay $0x3  }
0x94: {  	_ =	strace s3  }
0x95: {  	s3 =	sld [smem:$0x3FFD];
	_ =	sdelay $0x3  }
0x96: {  	_ =	strace s3  }
0x97: {  	_ =	strace $0x8FFFFFFF  }
0x98: {  	s19 =	sld [smem:$0x3FDB];
	_ =	sdelay $0x1  }
0x99: {  	s4 =	simm.s32 $_scs_section_size  }
0x9a: {  	s5 =	simm.s32 $_size__tile_overlayer_lowered;
	s6 =	simm.s32 $_tile_overlayer_lowered  }
0x9b: {  	s22 =	simm.s32 $0x1BFF;
	s21 =	sshll.u32 s6, $0x1;
	s3 =	sadd.s32 s4, s19  }
0x9c: {  	s7 =	simm.s32 $0x0;
	s20 =	sshll.u32 s5, $0x1;
	s5 =	sadd.s32 s21, s3  }
0x9d: {  	[timem:s7], [sflag:s22] =	dma.local [hbm:s5], s20  }
0x9e: {  	_ =	swait.ge [sflag:s22], s20  }
0x9f: {  	s4 =	ssub.s32 $0x0, s20;
	[sflag:s22] =	ssyncset.done $0x0  }
0xa0: {  	[sflag:s22] =	ssyncadd.s32 s4;
	_ =	sdelay $0x1  }
0xa1: {  	s23 =	simm.s32 $0x1B8B  }
0xa2: {  	_ =	swait.ge [sflag:s23], $0x1  }
0xa3: {  	[sflag:s23] =	ssyncset.done $0x0  }
0xa4: {  	s25 =	simm.s32 $0x1B8E;
	s24 =	sld [smem:$0x3FFE];
	[sflag:s23] =	ssyncadd.s32 $0xFFFFFFFF  }
0xa5: {  	s26 =	simm.s32 $execute0_lowered;
	[smem:$0x3FD2] =	sst s25  }
0xa6: {  	s5 =	sshll.u32 s26, $0x1;
	_ =	strace $0x80000046;
	[dreg:$0x1] =	wrdreg $0xFFFFFFFF  }
0xa7: {  	s28 =	simm.s32 $_size_execute0_lowered;
	s3 =	sadd.s32 s3, s5;
	[dreg:$0x0] =	wrdreg $0x0  }
0xa8: {  	s5 =	sshll.u32 s28, $0x1;
	[dreg:$0x2] =	wrdreg s3  }
0xa9: {  	[dreg:$0x3] =	wrdreg s5  }
0xaa: {  	[dreg:$0x4] =	wrdreg $0xC0  }
0xab: {  	_ =	task [dreg:s7], $0x5FFFF  }
0xac: {  	[dreg:$0x1] =	wrdreg $0xFFFFFFFF  }
0xad: {  	[dreg:$0x0] =	wrdreg $0x60  }
0xae: {  	[dreg:$0x2] =	wrdreg s2  }
0xaf: {  	[dreg:$0x3] =	wrdreg s24  }
0xb0: {  	[dreg:$0x4] =	wrdreg $0x9  }
0xb1: {  	_ =	task.clear_ibuf [dreg:s7], $0x5FFFF;
	_ =	strace $0x90000046  }
0xb2: {  	s29 =	simm.s32 $0x9;
	_ =	strace $0x80000048  }
0xb3: {  	_ =	swait.ge [sflag:s29], $0x1  }
0xb4: {  	[sflag:s29] =	ssyncadd.s32 $0xFFFFFFFF  }
0xb5: {  	_ =	strace $0x90000048  }
0xb6: {  	_ =	sfence  }
0xb7: {  	s30 =	sld [smem:$0x0];
	_ =	sdelay $0x2  }
0xb8: {  	s31 =	sshll.u32 s1, $0xD;
	s1 =	sshrl.u32 s1, $0x2  }
0xb9: {  	s3 =	sand.u32 $0x4000, s31;
	s1 =	sadd.s32 s1, s30  }
0xba: {  	s0 =	sor.u32 s3, s0;
	s1 =	sshll.u32 s1, $0x11  }
0xbb: {  	s0 =	sor.u32 s1, s0  }
0xbc: {  	s0 =	sadd.s32 $0x8F2B, s0  }
0xbd: {  	[sflag:s0] =	ssyncadd.remote.s32 $0x1  }
0xbe: {  	_ =	sfence.sel $0xFFFF  }
0xbf: {  	[dreg:$0x0] =	wrdreg $0xFFFFFFFF;
	(pc) =	sbr.abs _section_cstart, $3  }
0xc0: {  	[dreg:$0x1] =	wrdreg $0xFFFFFFFF  }
0xc1: {  	_ =	task.clear_ibuf [dreg:s7], $0x2FFFF;
	_ =	strace $0x9FFFFFFF  }
0xc2: {  	(tm) =	ssettm $0x7FFFFFFF  }
0xc3: {  	_ =	shalt  }
tec
execute0_lowered:
.L_overlay_start_1:
0x0: {  	(tag) =	ssettag $0x1  }
0x1: {  	s1 =	rddreg [dreg:$0x0]  }
0x2: {  	s0 =	rddreg [dreg:$0x1];
	s2 =	simm.s32 $0x0  }
0x3: {  	s3 =	srdreg.scid;
	s25 =	stileid.u32;
	s16 =	simm.s32 $0x3  }
0x4: {  	s17 =	simm.s32 $0x8000;
	s18 =	simm.s32 $0x1A800;
	s19 =	simm.s32 $0x2A00  }
0x5: {  	s20 =	simm.s32 $0x17E00;
	s21 =	simm.s32 $0x12A00;
	s22 =	simm.s32 $0x15400  }
0x6: {  	s23 =	simm.s32 $0x1;
	s24 =	simm.s32 $0x2;
	[smem:$0x7FF] =	sst s2  }
0x7: {  	s10 =	sadd.s32 $0x28D600, s0;
	s8 =	sand.u32 $0x1, s3;
	s5 =	sadd.s32 $0x127600, s0  }
0x8: {  	s4 =	sadd.s32 $0x1600, s0;
	s0 =	sadd.s32 $0x24D600, s0;
	s15 =	smul.u32 $0x49800, s25  }
0x9: {  	_ =	strace $0x80000047;
	s6 =	sshll.u32 s8, $0x4;
	s7 =	ssub.s32 $0x2, s8  }
0xa: {  	s14 =	smul.u32 $0x498000, s8;
	s9 =	sor.u32 s25, s6;
	s26 =	sshrl.u32 s7, $0x1  }
0xb: {  	s25 =	simm.s32 $0x0;
	s11 =	sshll.u32 s9, $0x2;
	s12 =	ssub.s32 s7, s26  }
0xc: {  	s6 =	smul.u32 $0x49800, s9;
	s29 =	sshll.u32 s9, $0xD;
	s13 =	sshllo.u32 s9, $0x1  }
0xd: {  	s28 =	sadd.s32 s10, s11;
	s8 =	sadd.s32 s0, s29;
	s30 =	sshll.u32 s13, $0x1  }
0xe: {  	s9 =	smul.u32 $0x24C00, s13;
	s31 =	sshll.u32 s13, $0xC;
	s12 =	smax.u32 s12, $0x1  }
0xf: {  	v2 =	vimm.s32 $0x0;
	s13 =	sadd.s32 s15, s14;
	s15 =	simm.s32 $0x10000;
	[dreg:$0x3] =	wrdreg s28  }
0x10: {  	v3 =	vlaneseq.u32;
	s10 =	sadd.s32 s10, s30;
	s11 =	sadd.s32 s0, s31;
	s14 =	sadd.s32 $0x24C00, s13;
	v0 =	vmov s6;
	v1 =	vmov s9  }
.LBB2_1:
0x11: {  	s0 =	simm.s32 $0x0  }
.LBB2_2:
0x12: {  	p0 =	sne.s32 s0, $0x1FFC0  }
.Ltmp0:
0x13: {  	_ = 	snop;
	(pc) =	sbr.rel @p0 .LBB2_2-.Ltmp0, $4  }
0x14: {  	_ = 	snop  }
0x15: {  	s26 =	sshra.s32 s0, $0x2  }
0x16: {  	[tilespmem:s26+$0x0] =	vst v2  }
0x17: {  	s0 =	sadd.s32 $0x40, s0;
	[tilespmem:s26+$0x8000] =	vst v2  }
0x18: {  	s26 =	simm.s32 $0x0;
	v4 =	vimm.f32 $0.0e+00;
	s28 =	simm.s32 $0x0  }
.LBB2_4:
0x19: {  	s0 =	smul.u32 $0x2A00, s28;
	_ =	sdelay $0x1  }
0x1a: {  	s0 =	sadd.s32 s6, s0  }
0x1b: {  	s0 =	sshrl.u32 s0, $0x3  }
0x1c: {  	s0 =	sadd.s32 s1, s0  }
0x1d: {  	[tilespmem:s15], [sflag:$0x3] =	stream.linear.gather [hbm4b:s0+s26], $0x2A00, $0x38;
	[tilespmem:$0x1A880] =	vst v63  }
0x1e: {  	_ =	swait.ge [sflag:s16], $0x2A00  }
0x1f: {  	[sflag:s16] =	ssyncset.done $0x0  }
0x20: {  	s31 =	simm.s32 $0x0;
	[sflag:s16] =	ssyncadd.s32 $0xFFFFD600  }
0x21: {  	s29 =	simm.s32 $0x40;
	v5 =	vld [tilespmem:s31+$0x10000]  }
.LBB2_5:
0x22: {  	p0 =	sne.s32 s29, $0xA7C0;
	_ =	sdelay $0x3  }
0x23: {  	v5 =	vadd.f32 $5.000000000e-01, v5;
	_ =	sdelay $0x1  }
0x24: {  	v6 =	vand.u32 $0x7FFF, v5;
	v4 =	vadd.f32 v5, v4  }
0x25: {  	v5 =	vshrl.u32 v5, $0xF;
	(xrf1) =	vunique.msk.u32 $0xffff, v6  }
0x26: {  	(xrf1) =	vunique.msk.u32 $0xffff, v5;
	_ =	sdelay $0xc  }
0x27: {  	_, v7, vm0 =	vpop (xrf1)  }
0x28: {  	_, v8, vm1 =	vpop (xrf1);
	_ =	sdelay $0x2  }
.Ltmp1:
0x29: {  	(pc) =	sbr.rel @p0 .LBB2_5-.Ltmp1, $4  }
0x2a: {  	_ = 	snop  }
0x2b: {  	[tilespmem:v6+s2+$0x0] =	vst.idx.add.s32.msk vm0, v7  }
0x2c: {  	s0 =	sshra.s32 s29, $0x2;
	[tilespmem:v5+s17+$0x0] =	vst.idx.add.s32.msk vm1, v8  }
0x2d: {  	s29 =	sadd.s32 $0x40, s29;
	v5 =	vld [tilespmem:s0+$0x10000]  }
0x2e: {  	_ =	sdelay $0x3  }
0x2f: {  	v5 =	vadd.f32 $5.000000000e-01, v5;
	_ =	sdelay $0x1  }
0x30: {  	v6 =	vand.u32 $0x7FFF, v5  }
0x31: {  	v7 =	vshrl.u32 v5, $0xF;
	(xrf1) =	vunique.msk.u32 $0xffff, v6  }
0x32: {  	(xrf1) =	vunique.msk.u32 $0xffff, v7;
	_ =	sdelay $0xc  }
0x33: {  	_, v8, vm0 =	vpop (xrf1)  }
0x34: {  	s28 =	sadd.s32 $0x1, s28;
	_, v9, vm1 =	vpop (xrf1)  }
0x35: {  	p0 =	sne.s32 s28, $0xE  }
.Ltmp2:
0x36: {  	_ = 	snop;
	(pc) =	sbr.rel @p0 .LBB2_4-.Ltmp2, $3  }
0x37: {  	_ =	sdelay $0x1  }
0x38: {  	[tilespmem:v6+s2+$0x0] =	vst.idx.add.s32.msk vm0, v8  }
0x39: {  	v4 =	vadd.f32 v5, v4;
	[tilespmem:v7+s17+$0x0] =	vst.idx.add.s32.msk vm1, v9  }
0x3a: {  	_ = 	snop  }
0x3b: {  	s0 =	simm.s32 $0x0;
	s3 =	rddreg [dreg:$0x3];
	[tilespmem:$0x1A800] =	vst v4  }
0x3c: {  	[hbm4b:s3+s0] =	stream.linear.scatter [tilespmem:s18], [sflag:$0x3], $0x10, $0x38;
	[tilespmem:$0x1A880] =	vst v63  }
0x3d: {  	_ =	swait.ge [sflag:s16], $0x10  }
0x3e: {  	[sflag:s16] =	ssyncset.done $0x0  }
0x3f: {  	s26 =	simm.s32 $0x0;
	[sflag:s16] =	ssyncadd.s32 $0xFFFFFFF0  }
0x40: {  	v4 =	vld [tilespmem:s26+$0x0];
	_ =	sdelay $0x4  }
0x41: {  	(xrf0) =	vadd.scan.msk.s32 $0xffff, v4;
	_ =	sdelay $0x5  }
0x42: {  	v4 =	vsub.s32 v0, v4;
	v5, _, _ =	vpop (xrf0)  }
0x43: {  	v4 =	vadd.s32 v5, v4;
	_ =	sdelay $0x1  }
0x44: {  	v5 =	vbroadcast v5, $0xF  }
0x45: {  	s28 =	simm.s32 $0x10;
	s29 =	simm.s32 $0x80;
	[tilespmem:s26+$0x0] =	vst v4;
	v4 =	vmov v0  }
.LBB2_8:
0x46: {  	p0 =	sne.s32 s29, $0x1FFC0;
	v6 =	vld [tilespmem:s28+$0x0];
	v4 =	vadd.s32 v4, v5;
	_ =	sdelay $0x4  }
0x47: {  	v5 =	vsub.s32 v4, v6;
	(xrf0) =	vadd.scan.msk.s32 $0xffff, v6;
	_ =	sdelay $0x3  }
.Ltmp3:
0x48: {  	(pc) =	sbr.rel @p0 .LBB2_8-.Ltmp3, $4  }
0x49: {  	_ = 	snop  }
0x4a: {  	v6, _, _ =	vpop (xrf0)  }
0x4b: {  	v7 =	vadd.s32 v6, v5;
	v5 =	vbroadcast v6, $0xF  }
0x4c: {  	[tilespmem:s28+$0x0] =	vst v7;
	s28 =	sshra.s32 s29, $0x2;
	s29 =	sadd.s32 $0x40, s29  }
0x4d: {  	v6 =	vld [tilespmem:s28+$0x0];
	_ =	sdelay $0x4  }
0x4e: {  	(xrf0) =	vadd.scan.msk.s32 $0xffff, v6;
	_ =	sdelay $0x4  }
0x4f: {  	v4 =	vadd.s32 v4, v5  }
0x50: {  	v4 =	vsub.s32 v4, v6;
	v5, _, _ =	vpop (xrf0)  }
0x51: {  	v4 =	vadd.s32 v5, v4  }
0x52: {  	[tilespmem:s28+$0x0] =	vst v4  }
0x53: {  	v4 =	vld [tilespmem:s26+$0x8000];
	_ =	sdelay $0x4  }
0x54: {  	(xrf0) =	vadd.scan.msk.s32 $0xffff, v4;
	_ =	sdelay $0x5  }
0x55: {  	v4 =	vsub.s32 v0, v4;
	v5, _, _ =	vpop (xrf0)  }
0x56: {  	v4 =	vadd.s32 v5, v4;
	_ =	sdelay $0x1  }
0x57: {  	v5 =	vbroadcast v5, $0xF  }
0x58: {  	s29 =	simm.s32 $0x80;
	s28 =	simm.s32 $0x10;
	[tilespmem:s26+$0x8000] =	vst v4;
	v4 =	vmov v0  }
.LBB2_10:
0x59: {  	p0 =	sne.s32 s29, $0x1FFC0;
	v6 =	vld [tilespmem:s28+$0x8000];
	v4 =	vadd.s32 v4, v5;
	_ =	sdelay $0x4  }
0x5a: {  	v5 =	vsub.s32 v4, v6;
	(xrf0) =	vadd.scan.msk.s32 $0xffff, v6;
	_ =	sdelay $0x3  }
.Ltmp4:
0x5b: {  	(pc) =	sbr.rel @p0 .LBB2_10-.Ltmp4, $4  }
0x5c: {  	_ = 	snop  }
0x5d: {  	v6, _, _ =	vpop (xrf0)  }
0x5e: {  	v7 =	vadd.s32 v6, v5;
	v5 =	vbroadcast v6, $0xF  }
0x5f: {  	[tilespmem:s28+$0x8000] =	vst v7;
	s28 =	sshra.s32 s29, $0x2;
	s29 =	sadd.s32 $0x40, s29  }
0x60: {  	v6 =	vld [tilespmem:s28+$0x8000];
	_ =	sdelay $0x4  }
0x61: {  	(xrf0) =	vadd.scan.msk.s32 $0xffff, v6;
	_ =	sdelay $0x4  }
0x62: {  	v4 =	vadd.s32 v4, v5  }
0x63: {  	v4 =	vsub.s32 v4, v6;
	v5, _, _ =	vpop (xrf0)  }
0x64: {  	v4 =	vadd.s32 v5, v4  }
0x65: {  	s26 =	simm.s32 $0x0;
	[tilespmem:s28+$0x8000] =	vst v4  }
0x66: {  	[hbm4b:s8+s26] =	stream.linear.scatter [tilespmem:s17], [sflag:$0x3], $0x8000, $0x38;
	[tilespmem:$0x1A880] =	vst v63  }
0x67: {  	_ =	swait.ge [sflag:s16], $0x8000  }
0x68: {  	[sflag:s16] =	ssyncset.done $0x0  }
0x69: {  	s29 =	simm.s32 $0x0;
	s28 =	smov.u32 s13;
	[sflag:s16] =	ssyncadd.s32 $0xFFFF8000  }
.LBB2_12:
0x6a: {  	s0 =	smul.u32 $0x2A00, s29;
	_ =	sdelay $0x1  }
0x6b: {  	s0 =	sadd.s32 s6, s0  }
0x6c: {  	s0 =	sshrl.u32 s0, $0x3  }
0x6d: {  	s0 =	sadd.s32 s1, s0  }
0x6e: {  	[tilespmem:s15], [sflag:$0x3] =	stream.linear.gather [hbm4b:s0+s26], $0x2A00, $0x38;
	[tilespmem:$0x1A880] =	vst v63  }
0x6f: {  	_ =	swait.ge [sflag:s16], $0x2A00  }
0x70: {  	[sflag:s16] =	ssyncset.done $0x0  }
0x71: {  	s30 =	simm.s32 $0x0;
	[sflag:s16] =	ssyncadd.s32 $0xFFFFD600  }
0x72: {  	v4 =	vld [tilespmem:s30+$0x10000];
	_ =	sdelay $0x4  }
0x73: {  	v6 =	vadd.f32 $5.000000000e-01, v4;
	_ =	sdelay $0x1  }
0x74: {  	v4 =	vand.u32 $0x7FFF, v6  }
0x75: {  	(xrf1) =	vunique.msk.u32 $0xffff, v4;
	_ =	sdelay $0x9  }
0x76: {  	v7 =	vld.idx.msk [tilespmem:v4+s2+$0x0], $0xffff;
	_ =	sdelay $0x3  }
0x77: {  	_, v5, vm0 =	vpop (xrf1)  }
0x78: {  	[tilespmem:s30+$0x12A00] =	vst v6;
	v6 =	vor.u32 s28, v3;
	v7 =	vadd.s32 v5, v7  }
0x79: {  	[tilespmem:s30+$0x15400] =	vst v6;
	v6 =	vadd.s32 $0xFFFFFFFF, v7  }
0x7a: {  	s31 =	simm.s32 $0x40;
	s0 =	simm.s32 $0x80;
	[tilespmem:s30+$0x17E00] =	vst v6;
	s30 =	smov.u32 s28  }
.LBB2_13:
0x7b: {  	_ = 	snop  }
0x7c: {  	s3 =	sshra.s32 s31, $0x2  }
0x7d: {  	[tilespmem:v4+s2+$0x0] =	vst.idx.add.s32.msk vm0, v5;
	s30 =	sadd.s32 $0x10, s30;
	s31 =	smov.u32 s0;
	s7 =	sadd.s32 $0x40, s0  }
0x7e: {  	p0 =	sne.s32 s0, $0xA7C0;
	v4 =	vld [tilespmem:s3+$0x10000];
	_ =	sdelay $0x4  }
0x7f: {  	v5 =	vadd.f32 $5.000000000e-01, v4;
	_ =	sdelay $0x1  }
0x80: {  	v4 =	vand.u32 $0x7FFF, v5  }
0x81: {  	(xrf1) =	vunique.msk.u32 $0xffff, v4;
	_ =	sdelay $0x8  }
0x82: {  	v6 =	vld.idx.msk [tilespmem:v4+s2+$0x0], $0xffff  }
0x83: {  	[tilespmem:s3+$0x12A00] =	vst v5;
	v5 =	vor.u32 s30, v3  }
0x84: {  	[tilespmem:s3+$0x15400] =	vst v5;
	_ =	sdelay $0x1  }
.Ltmp5:
0x85: {  	(pc) =	sbr.rel @p0 .LBB2_13-.Ltmp5, $4  }
0x86: {  	_, v5, vm0 =	vpop (xrf1)  }
0x87: {  	v6 =	vadd.s32 v5, v6  }
0x88: {  	v6 =	vadd.s32 $0xFFFFFFFF, v6  }
0x89: {  	s0 =	smov.u32 s7;
	[tilespmem:s3+$0x17E00] =	vst v6  }
0x8a: {  	_ =	sdelay $0x4  }
0x8b: {  	s0 =	sshra.s32 s31, $0x2;
	[tilespmem:v4+s2+$0x0] =	vst.idx.add.s32.msk vm0, v5  }
0x8c: {  	v4 =	vld [tilespmem:s0+$0x10000];
	_ =	sdelay $0x4  }
0x8d: {  	v4 =	vadd.f32 $5.000000000e-01, v4;
	_ =	sdelay $0x1  }
0x8e: {  	v5 =	vand.u32 $0x7FFF, v4  }
0x8f: {  	(xrf1) =	vunique.msk.u32 $0xffff, v5;
	_ =	sdelay $0xb  }
0x90: {  	v6 =	vld.idx.msk [tilespmem:v5+s2+$0x0], $0xffff;
	_ =	sdelay $0x1  }
0x91: {  	_, v7, vm15 =	vpop (xrf1);
	_ =	sdelay $0x1  }
0x92: {  	s3 =	sadd.s32 $0x10, s30  }
0x93: {  	[tilespmem:s0+$0x12A00] =	vst v4;
	v4 =	vor.u32 s3, v3;
	v6 =	vadd.s32 v7, v6  }
0x94: {  	[tilespmem:s0+$0x15400] =	vst v4;
	v4 =	vadd.s32 $0xFFFFFFFF, v6  }
0x95: {  	[tilespmem:s0+$0x17E00] =	vst v4  }
0x96: {  	[tilespmem:v5+s2+$0x0] =	vst.idx.add.s32.msk vm15, v7  }
0x97: {  	[hbm4b:s4+s19] =	stream.indirect.scatter [tilespmem:s21], [sflag:$0x1], $0x1, s20, s19, $0xb8;
	[tilespmem:$0x1A880] =	vst v63  }
0x98: {  	s29 =	sadd.s32 $0x1, s29  }
0x99: {  	[hbm4b:s5+s19] =	stream.indirect.scatter [tilespmem:s22], [sflag:$0x2], $0x1, s20, s19, $0xb8;
	[tilespmem:$0x1A880] =	vst v63  }
0x9a: {  	p0 =	sne.s32 s29, $0xE;
	_ =	swait.ge [sflag:s23], $0x2A00  }
.Ltmp6:
0x9b: {  	[sflag:s23] =	ssyncset.done $0x0;
	(pc) =	sbr.rel @p0 .LBB2_12-.Ltmp6, $4  }
0x9c: {  	[sflag:s23] =	ssyncadd.s32 $0xFFFFD600  }
0x9d: {  	_ =	swait.ge [sflag:s24], $0x2A00  }
0x9e: {  	[sflag:s24] =	ssyncset.done $0x0  }
0x9f: {  	s28 =	sadd.s32 $0x2A00, s28;
	s30 =	simm.s32 $0x0;
	[sflag:s24] =	ssyncadd.s32 $0xFFFFD600  }
0xa0: {  	s0 =	simm.s32 $0x0  }
.LBB2_16:
0xa1: {  	p0 =	sne.s32 s0, $0x1FFC0  }
.Ltmp7:
0xa2: {  	_ = 	snop;
	(pc) =	sbr.rel @p0 .LBB2_16-.Ltmp7, $4  }
0xa3: {  	_ = 	snop  }
0xa4: {  	s3 =	sshra.s32 s0, $0x2  }
0xa5: {  	[tilespmem:s3+$0x0] =	vst v2  }
0xa6: {  	s0 =	sadd.s32 $0x40, s0;
	[tilespmem:s3+$0x8000] =	vst v2  }
0xa7: {  	v4 =	vimm.f32 $0.0e+00  }
.LBB2_18:
0xa8: {  	s0 =	smul.u32 $0x2A00, s30;
	_ =	sdelay $0x1  }
0xa9: {  	s0 =	sadd.s32 s9, s0  }
0xaa: {  	s0 =	sshrl.u32 s0, $0x3  }
0xab: {  	s3 =	simm.s32 $0x0;
	s0 =	sadd.s32 s1, s0  }
0xac: {  	[tilespmem:s15], [sflag:$0x3] =	stream.linear.gather [hbm4b:s0+s3], $0x2A00, $0x38;
	[tilespmem:$0x1A880] =	vst v63  }
0xad: {  	_ =	swait.ge [sflag:s16], $0x2A00  }
0xae: {  	[sflag:s16] =	ssyncset.done $0x0  }
0xaf: {  	s31 =	simm.s32 $0x0;
	[sflag:s16] =	ssyncadd.s32 $0xFFFFD600  }
0xb0: {  	s26 =	simm.s32 $0x40;
	v5 =	vld [tilespmem:s31+$0x10000]  }
.LBB2_19:
0xb1: {  	p0 =	sne.s32 s26, $0xA7C0;
	_ =	sdelay $0x3  }
0xb2: {  	v5 =	vadd.f32 $5.000000000e-01, v5;
	_ =	sdelay $0x1  }
0xb3: {  	v6 =	vand.u32 $0x7FFF, v5;
	v4 =	vadd.f32 v5, v4  }
0xb4: {  	v5 =	vshrl.u32 v5, $0xF;
	(xrf1) =	vunique.msk.u32 $0xffff, v6  }
0xb5: {  	(xrf1) =	vunique.msk.u32 $0xffff, v5;
	_ =	sdelay $0xc  }
0xb6: {  	_, v7, vm0 =	vpop (xrf1)  }
0xb7: {  	_, v8, vm1 =	vpop (xrf1);
	_ =	sdelay $0x2  }
.Ltmp8:
0xb8: {  	(pc) =	sbr.rel @p0 .LBB2_19-.Ltmp8, $4  }
0xb9: {  	_ = 	snop  }
0xba: {  	[tilespmem:v6+s2+$0x0] =	vst.idx.add.s32.msk vm0, v7  }
0xbb: {  	s0 =	sshra.s32 s26, $0x2;
	[tilespmem:v5+s17+$0x0] =	vst.idx.add.s32.msk vm1, v8  }
0xbc: {  	s26 =	sadd.s32 $0x40, s26;
	v5 =	vld [tilespmem:s0+$0x10000]  }
0xbd: {  	_ =	sdelay $0x3  }
0xbe: {  	v5 =	vadd.f32 $5.000000000e-01, v5;
	_ =	sdelay $0x1  }
0xbf: {  	v6 =	vand.u32 $0x7FFF, v5  }
0xc0: {  	v7 =	vshrl.u32 v5, $0xF;
	(xrf1) =	vunique.msk.u32 $0xffff, v6  }
0xc1: {  	(xrf1) =	vunique.msk.u32 $0xffff, v7;
	_ =	sdelay $0xc  }
0xc2: {  	_, v8, vm0 =	vpop (xrf1)  }
0xc3: {  	s30 =	sadd.s32 $0x1, s30;
	_, v9, vm1 =	vpop (xrf1)  }
0xc4: {  	p0 =	sne.s32 s30, $0xE  }
.Ltmp9:
0xc5: {  	_ = 	snop;
	(pc) =	sbr.rel @p0 .LBB2_18-.Ltmp9, $3  }
0xc6: {  	_ =	sdelay $0x1  }
0xc7: {  	[tilespmem:v6+s2+$0x0] =	vst.idx.add.s32.msk vm0, v8  }
0xc8: {  	v4 =	vadd.f32 v5, v4;
	[tilespmem:v7+s17+$0x0] =	vst.idx.add.s32.msk vm1, v9  }
0xc9: {  	_ = 	snop  }
0xca: {  	s0 =	simm.s32 $0x0;
	[tilespmem:$0x1A800] =	vst v4  }
0xcb: {  	[hbm4b:s10+s0] =	stream.linear.scatter [tilespmem:s18], [sflag:$0x3], $0x10, $0x38;
	[tilespmem:$0x1A880] =	vst v63  }
0xcc: {  	_ =	swait.ge [sflag:s16], $0x10  }
0xcd: {  	[sflag:s16] =	ssyncset.done $0x0  }
0xce: {  	s26 =	simm.s32 $0x0;
	[sflag:s16] =	ssyncadd.s32 $0xFFFFFFF0  }
0xcf: {  	v4 =	vld [tilespmem:s26+$0x0];
	_ =	sdelay $0x4  }
0xd0: {  	(xrf0) =	vadd.scan.msk.s32 $0xffff, v4;
	_ =	sdelay $0x5  }
0xd1: {  	v4 =	vsub.s32 v1, v4;
	v5, _, _ =	vpop (xrf0)  }
0xd2: {  	v4 =	vadd.s32 v5, v4;
	_ =	sdelay $0x1  }
0xd3: {  	v5 =	vbroadcast v5, $0xF  }
0xd4: {  	s28 =	simm.s32 $0x10;
	s29 =	simm.s32 $0x80;
	[tilespmem:s26+$0x0] =	vst v4;
	v4 =	vmov v1  }
.LBB2_22:
0xd5: {  	p0 =	sne.s32 s29, $0x1FFC0;
	v6 =	vld [tilespmem:s28+$0x0];
	v4 =	vadd.s32 v4, v5;
	_ =	sdelay $0x4  }
0xd6: {  	v5 =	vsub.s32 v4, v6;
	(xrf0) =	vadd.scan.msk.s32 $0xffff, v6;
	_ =	sdelay $0x3  }
.Ltmp10:
0xd7: {  	(pc) =	sbr.rel @p0 .LBB2_22-.Ltmp10, $4  }
0xd8: {  	_ = 	snop  }
0xd9: {  	v6, _, _ =	vpop (xrf0)  }
0xda: {  	v7 =	vadd.s32 v6, v5;
	v5 =	vbroadcast v6, $0xF  }
0xdb: {  	[tilespmem:s28+$0x0] =	vst v7;
	s28 =	sshra.s32 s29, $0x2;
	s29 =	sadd.s32 $0x40, s29  }
0xdc: {  	v6 =	vld [tilespmem:s28+$0x0];
	_ =	sdelay $0x4  }
0xdd: {  	(xrf0) =	vadd.scan.msk.s32 $0xffff, v6;
	_ =	sdelay $0x4  }
0xde: {  	v4 =	vadd.s32 v4, v5  }
0xdf: {  	v4 =	vsub.s32 v4, v6;
	v5, _, _ =	vpop (xrf0)  }
0xe0: {  	v4 =	vadd.s32 v5, v4  }
0xe1: {  	[tilespmem:s28+$0x0] =	vst v4  }
0xe2: {  	v4 =	vld [tilespmem:s26+$0x8000];
	_ =	sdelay $0x4  }
0xe3: {  	(xrf0) =	vadd.scan.msk.s32 $0xffff, v4;
	_ =	sdelay $0x5  }
0xe4: {  	v4 =	vsub.s32 v1, v4;
	v5, _, _ =	vpop (xrf0)  }
0xe5: {  	v4 =	vadd.s32 v5, v4;
	_ =	sdelay $0x1  }
0xe6: {  	v5 =	vbroadcast v5, $0xF  }
0xe7: {  	s29 =	simm.s32 $0x80;
	s28 =	simm.s32 $0x10;
	[tilespmem:s26+$0x8000] =	vst v4;
	v4 =	vmov v1  }
.LBB2_24:
0xe8: {  	p0 =	sne.s32 s29, $0x1FFC0;
	v6 =	vld [tilespmem:s28+$0x8000];
	v4 =	vadd.s32 v4, v5;
	_ =	sdelay $0x4  }
0xe9: {  	v5 =	vsub.s32 v4, v6;
	(xrf0) =	vadd.scan.msk.s32 $0xffff, v6;
	_ =	sdelay $0x3  }
.Ltmp11:
0xea: {  	(pc) =	sbr.rel @p0 .LBB2_24-.Ltmp11, $4  }
0xeb: {  	_ = 	snop  }
0xec: {  	v6, _, _ =	vpop (xrf0)  }
0xed: {  	v7 =	vadd.s32 v6, v5;
	v5 =	vbroadcast v6, $0xF  }
0xee: {  	[tilespmem:s28+$0x8000] =	vst v7;
	s28 =	sshra.s32 s29, $0x2;
	s29 =	sadd.s32 $0x40, s29  }
0xef: {  	v6 =	vld [tilespmem:s28+$0x8000];
	_ =	sdelay $0x4  }
0xf0: {  	(xrf0) =	vadd.scan.msk.s32 $0xffff, v6;
	_ =	sdelay $0x4  }
0xf1: {  	v4 =	vadd.s32 v4, v5  }
0xf2: {  	v4 =	vsub.s32 v4, v6;
	v5, _, _ =	vpop (xrf0)  }
0xf3: {  	v4 =	vadd.s32 v5, v4  }
0xf4: {  	s26 =	simm.s32 $0x0;
	[tilespmem:s28+$0x8000] =	vst v4  }
0xf5: {  	[hbm4b:s11+s26] =	stream.linear.scatter [tilespmem:s17], [sflag:$0x3], $0x8000, $0x38;
	[tilespmem:$0x1A880] =	vst v63  }
0xf6: {  	_ =	swait.ge [sflag:s16], $0x8000  }
0xf7: {  	[sflag:s16] =	ssyncset.done $0x0  }
0xf8: {  	s29 =	simm.s32 $0x0;
	s28 =	smov.u32 s14;
	[sflag:s16] =	ssyncadd.s32 $0xFFFF8000  }
.LBB2_26:
0xf9: {  	s0 =	smul.u32 $0x2A00, s29;
	_ =	sdelay $0x1  }
0xfa: {  	s0 =	sadd.s32 s9, s0  }
0xfb: {  	s0 =	sshrl.u32 s0, $0x3  }
0xfc: {  	s0 =	sadd.s32 s1, s0  }
0xfd: {  	[tilespmem:s15], [sflag:$0x3] =	stream.linear.gather [hbm4b:s0+s26], $0x2A00, $0x38;
	[tilespmem:$0x1A880] =	vst v63  }
0xfe: {  	_ =	swait.ge [sflag:s16], $0x2A00  }
0xff: {  	[sflag:s16] =	ssyncset.done $0x0  }
0x100: {  	s3 =	simm.s32 $0x0;
	[sflag:s16] =	ssyncadd.s32 $0xFFFFD600  }
0x101: {  	v4 =	vld [tilespmem:s3+$0x10000];
	_ =	sdelay $0x4  }
0x102: {  	v6 =	vadd.f32 $5.000000000e-01, v4;
	_ =	sdelay $0x1  }
0x103: {  	v4 =	vand.u32 $0x7FFF, v6  }
0x104: {  	(xrf1) =	vunique.msk.u32 $0xffff, v4;
	_ =	sdelay $0x9  }
0x105: {  	v7 =	vld.idx.msk [tilespmem:v4+s2+$0x0], $0xffff;
	_ =	sdelay $0x3  }
0x106: {  	_, v5, vm0 =	vpop (xrf1)  }
0x107: {  	[tilespmem:s3+$0x12A00] =	vst v6;
	v6 =	vor.u32 s28, v3;
	v7 =	vadd.s32 v5, v7  }
0x108: {  	[tilespmem:s3+$0x15400] =	vst v6;
	v6 =	vadd.s32 $0xFFFFFFFF, v7  }
0x109: {  	s31 =	simm.s32 $0x40;
	s30 =	smov.u32 s28;
	s0 =	simm.s32 $0x80;
	[tilespmem:s3+$0x17E00] =	vst v6  }
.LBB2_27:
0x10a: {  	_ = 	snop  }
0x10b: {  	s3 =	sshra.s32 s31, $0x2  }
0x10c: {  	[tilespmem:v4+s2+$0x0] =	vst.idx.add.s32.msk vm0, v5;
	s30 =	sadd.s32 $0x10, s30;
	s31 =	smov.u32 s0;
	s7 =	sadd.s32 $0x40, s0  }
0x10d: {  	p0 =	sne.s32 s0, $0xA7C0;
	v4 =	vld [tilespmem:s3+$0x10000];
	_ =	sdelay $0x4  }
0x10e: {  	v5 =	vadd.f32 $5.000000000e-01, v4;
	_ =	sdelay $0x1  }
0x10f: {  	v4 =	vand.u32 $0x7FFF, v5  }
0x110: {  	(xrf1) =	vunique.msk.u32 $0xffff, v4;
	_ =	sdelay $0x8  }
0x111: {  	v6 =	vld.idx.msk [tilespmem:v4+s2+$0x0], $0xffff  }
0x112: {  	[tilespmem:s3+$0x12A00] =	vst v5;
	v5 =	vor.u32 s30, v3  }
0x113: {  	[tilespmem:s3+$0x15400] =	vst v5;
	_ =	sdelay $0x1  }
.Ltmp12:
0x114: {  	(pc) =	sbr.rel @p0 .LBB2_27-.Ltmp12, $4  }
0x115: {  	_, v5, vm0 =	vpop (xrf1)  }
0x116: {  	v6 =	vadd.s32 v5, v6  }
0x117: {  	v6 =	vadd.s32 $0xFFFFFFFF, v6  }
0x118: {  	s0 =	smov.u32 s7;
	[tilespmem:s3+$0x17E00] =	vst v6  }
0x119: {  	_ =	sdelay $0x4  }
0x11a: {  	s0 =	sshra.s32 s31, $0x2;
	[tilespmem:v4+s2+$0x0] =	vst.idx.add.s32.msk vm0, v5  }
0x11b: {  	v4 =	vld [tilespmem:s0+$0x10000];
	_ =	sdelay $0x4  }
0x11c: {  	v4 =	vadd.f32 $5.000000000e-01, v4;
	_ =	sdelay $0x1  }
0x11d: {  	v5 =	vand.u32 $0x7FFF, v4  }
0x11e: {  	(xrf1) =	vunique.msk.u32 $0xffff, v5;
	_ =	sdelay $0xb  }
0x11f: {  	v6 =	vld.idx.msk [tilespmem:v5+s2+$0x0], $0xffff;
	_ =	sdelay $0x1  }
0x120: {  	_, v7, vm15 =	vpop (xrf1);
	_ =	sdelay $0x1  }
0x121: {  	s3 =	sadd.s32 $0x10, s30  }
0x122: {  	[tilespmem:s0+$0x12A00] =	vst v4;
	v4 =	vor.u32 s3, v3;
	v6 =	vadd.s32 v7, v6  }
0x123: {  	[tilespmem:s0+$0x15400] =	vst v4;
	v4 =	vadd.s32 $0xFFFFFFFF, v6  }
0x124: {  	[tilespmem:s0+$0x17E00] =	vst v4  }
0x125: {  	[tilespmem:v5+s2+$0x0] =	vst.idx.add.s32.msk vm15, v7  }
0x126: {  	[hbm4b:s4+s19] =	stream.indirect.scatter [tilespmem:s21], [sflag:$0x1], $0x1, s20, s19, $0xb8;
	[tilespmem:$0x1A880] =	vst v63  }
0x127: {  	s29 =	sadd.s32 $0x1, s29  }
0x128: {  	[hbm4b:s5+s19] =	stream.indirect.scatter [tilespmem:s22], [sflag:$0x2], $0x1, s20, s19, $0xb8;
	[tilespmem:$0x1A880] =	vst v63  }
0x129: {  	p0 =	sne.s32 s29, $0xE;
	_ =	swait.ge [sflag:s23], $0x2A00  }
.Ltmp13:
0x12a: {  	[sflag:s23] =	ssyncset.done $0x0;
	(pc) =	sbr.rel @p0 .LBB2_26-.Ltmp13, $4  }
0x12b: {  	[sflag:s23] =	ssyncadd.s32 $0xFFFFD600  }
0x12c: {  	_ =	swait.ge [sflag:s24], $0x2A00  }
0x12d: {  	[sflag:s24] =	ssyncset.done $0x0  }
0x12e: {  	s28 =	sadd.s32 $0x2A00, s28;
	[sflag:s24] =	ssyncadd.s32 $0xFFFFD600  }
0x12f: {  	s25 =	sadd.s32 $0x1, s25  }
0x130: {  	p0 =	sne.s32 s25, s12  }
.Ltmp14:
0x131: {  	_ = 	snop;
	(pc) =	sbr.rel @p0 .LBB2_1-.Ltmp14, $1  }
0x132: {  	_ =	sdelay $0x3  }
0x133: {  	_ =	sfence.sel $0x180000  }
0x134: {  	[bflag:$0x0] =	sbarrier.arrive $0xFFFF  }
0x135: {  	_ =	strace $0x90000047  }
0x136: {  	s0 =	stileid.u32;
	[bflag:$0x2] =	sbarrier.arrive $0xFFFF  }
0x137: {  	p0 =	sne.s32 s0, $0x0;
	s0 =	rddreg [dreg:$0x2]  }
0x138: {  	s0 =	sadd.s32 @!p0 $0x100000, s0  }
0x139: {  	[sflag:s0] =	ssyncadd.tile.s32 @!p0 $0x1;
	_ =	shalt  }
.Lfunc_end2:
_tile_overlayer_lowered:
.L_overlay_start_2:
0x13a: {  	(tag) =	ssettag $0x2  }
0x13b: {  	s0 =	rddreg [dreg:$0x0];
	s2 =	stileid.u32  }
0x13c: {  	s1 =	rddreg [dreg:$0x1];
	p0 =	sne.s32 s2, $0x0  }
0x13d: {  	s3 =	rddreg [dreg:$0x2];
	[bflag:$0x3] =	sbarrier.arrive $0xFFFF;
	s2 =	simm.s32 @!p0 $0x1C03  }
0x13e: {  	[timem:s3], [sflag:s2] =	dma.local @!p0 [hbm:s0], s1  }
0x13f: {  	s0 =	simm.s32 @!p0 $0x3  }
0x140: {  	_ =	swait.ge @!p0 [sflag:s0], s1  }
0x141: {  	s1 =	ssub.s32 @!p0 $0x0, s1;
	[sflag:s0] =	ssyncset.done @!p0 $0x0  }
0x142: {  	[sflag:s0] =	ssyncadd.s32 @!p0 s1  }
0x143: {  	[bflag:$0x3] =	sbarrier.arrive $0xFFFF  }
0x144: {  	_ =	shalt  }

// kernel: kernel.8.cloned.1.call-start
scs
__scs_entry_jumppad:
0x0: {  	(pc) =	sbr.rel $0x88, $3  }
0x1: {  	(tag) =	ssettag $0x0;
	lr =	simm.s32 $0x1  }
0x2: {  	[smem:$0x3FA0] =	sst lr;
	_ =	strace $0xD0000000  }
0x3: {  	_ = 	snop  }
0x4: {  	_ = 	snop  }
0x5: {  	_ = 	snop  }
0x6: {  	_ = 	snop  }
0x7: {  	_ = 	snop  }
__scs_overlays_trampoline_lowered:
0x8: {  	[smem:$0x3FAF] =	sst s0  }
0x9: {  	[smem:$0x3FB0] =	sst s1  }
0xa: {  	[smem:$0x3FB1] =	sst s2  }
0xb: {  	[smem:$0x3FB2] =	sst s3  }
0xc: {  	[smem:$0x3FB3] =	sst s4  }
0xd: {  	[smem:$0x3FB4] =	sst s5  }
0xe: {  	[smem:$0x3FB5] =	sst s6  }
0xf: {  	[smem:$0x3FB6] =	sst s7  }
0x10: {  	[smem:$0x3FB7] =	sst s8  }
0x11: {  	[smem:$0x3FB8] =	sst s9;
	s0 =	simm.s32 @!p0 $0x0  }
0x12: {  	s1 =	sld [smem:$0x3F9E];
	s0 =	simm.s32 @p0 $0x1  }
0x13: {  	[smem:$0x3FB9] =	sst s0;
	s0 =	simm.s32 @!p1 $0x0  }
0x14: {  	s2 =	sld [smem:$0x3F9D];
	s0 =	simm.s32 @p1 $0x1  }
0x15: {  	[smem:$0x3FBA] =	sst s0;
	s0 =	simm.s32 @!p2 $0x0  }
0x16: {  	s3 =	sld [smem:$0x3FDB];
	s0 =	simm.s32 @p2 $0x1  }
0x17: {  	s4 =	simm.s32 $0x1BF5;
	[smem:$0x3FBC] =	sst s0  }
0x18: {  	s0 =	sld [smem:$0x3F9F];
	_ =	swait.ge [sflag:s4], $0x0  }
0x19: {  	s7 =	sld [smem:$0x3FA0]  }
0x1a: {  	s8 =	sadd.s32 $0xFFFFE003, lr  }
0x1b: {  	s9 =	sadd.s32 $0xFFFFFEF7, lr;
	s5 =	simm.s32 $0xFFFFFFFF;
	p2 =	slt.u32 s8, $0xFFFFF086  }
0x1c: {  	p1 =	slt.u32 s9, $0xF7A;
	s5 =	simm.s32 @!p2 $0x0  }
0x1d: {  	s5 =	simm.s32 @p1 $0x1;
	p0 =	seq.s32 s7, s2  }
0x1e: {  	s7 =	smul.u32 @!p0 $0xF7A, s2;
	p2 =	seq.s32 @!p0 s5, $0x0  }
0x1f: {  	s9 =	smul.u32 $0xF7A, s1;
	s8 =	simm.s32 @!p0 $0x1BF5;
	p2 =	por !p2, p0  }
0x20: {  	[sflag:s8] =	ssyncset.s32 @!p0 $0xFFFFF086;
	s6 =	sadd.s32 @!p0 s3, s7;
	s7 =	simm.s32 @!p0 $0x108  }
0x21: {  	s3 =	sadd.s32 s3, s9;
	s6 =	sadd.s32 @!p0 $0x88, s6;
	s7 =	simm.s32 @p2 $0x1082  }
0x22: {  	[simem:s7], [sflag:s8] =	dma.local @!p0 [hbm:s6], $0xF7A  }
0x23: {  	s9 =	sor.u32 $0xD0000000, s2;
	s6 =	simm.s32 $0x108;
	_ =	swait.ge @!p0 [sflag:s8], $0x0  }
0x24: {  	s3 =	sadd.s32 $0x88, s3;
	s6 =	simm.s32 @!p1 $0x1082;
	[sflag:s4] =	ssyncset.s32 $0xFFFFF086  }
0x25: {  	[simem:s6], [sflag:s4] =	dma.local [hbm:s3], $0xF7A  }
0x26: {  	[smem:$0x3FA0] =	sst s1;
	(tag) =	ssettag s2;
	_ =	strace s9  }
0x27: {  	s1 =	sld [smem:$0x3FB0]  }
0x28: {  	s2 =	sld [smem:$0x3FB1]  }
0x29: {  	s4 =	sld [smem:$0x3FB3]  }
0x2a: {  	p0 =	seq.s32 s5, $0x0;
	s5 =	sld [smem:$0x3FB4]  }
0x2b: {  	s6 =	sld [smem:$0x3FB5]  }
0x2c: {  	s7 =	sld [smem:$0x3FB6]  }
0x2d: {  	s3 =	simm.s32 $0x108;
	s8 =	sld [smem:$0x3FB7]  }
0x2e: {  	s3 =	simm.s32 @!p0 $0x1082;
	s9 =	sld [smem:$0x3FB8]  }
0x2f: {  	lr =	sadd.s32 s0, s3;
	s0 =	sld [smem:$0x3FAF]  }
0x30: {  	s3 =	sld [smem:$0x3FB2]  }
0x31: {  	[smem:$0x3FBB] =	sst s10  }
0x32: {  	s10 =	sld [smem:$0x3FB9];
	_ =	sdelay $0x3  }
0x33: {  	p0 =	seq.s32 s10, $0x1;
	s10 =	sld [smem:$0x3FBB];
	_ =	sdelay $0x3  }
0x34: {  	[smem:$0x3FBB] =	sst s10  }
0x35: {  	s10 =	sld [smem:$0x3FBA];
	_ =	sdelay $0x3  }
0x36: {  	p1 =	seq.s32 s10, $0x1;
	s10 =	sld [smem:$0x3FBB];
	_ =	sdelay $0x3  }
0x37: {  	[smem:$0x3FBB] =	sst s10  }
0x38: {  	s10 =	sld [smem:$0x3FBC]  }
0x39: {  	_ = 	snop;
	(pc) =	sbr.ind lr, $3  }
0x3a: {  	_ = 	snop  }
0x3b: {  	_ = 	snop  }
0x3c: {  	p2 =	seq.s32 s10, $0x1;
	s10 =	sld [smem:$0x3FBB]  }
0x3d: {  	_ =	shalt  }
0x3e: {  	_ =	shalt  }
0x3f: {  	_ =	shalt  }
0x40: {  	_ =	shalt  }
0x41: {  	_ =	shalt  }
0x42: {  	_ =	shalt  }
0x43: {  	_ =	shalt  }
0x44: {  	_ =	shalt  }
0x45: {  	_ =	shalt  }
0x46: {  	_ =	shalt  }
0x47: {  	_ =	shalt  }
0x48: {  	_ =	shalt  }
0x49: {  	_ =	shalt  }
0x4a: {  	_ =	shalt  }
0x4b: {  	_ =	shalt  }
0x4c: {  	_ =	shalt  }
0x4d: {  	_ =	shalt  }
0x4e: {  	_ =	shalt  }
0x4f: {  	_ =	shalt  }
0x50: {  	_ =	shalt  }
0x51: {  	_ =	shalt  }
0x52: {  	_ =	shalt  }
0x53: {  	_ =	shalt  }
0x54: {  	_ =	shalt  }
0x55: {  	_ =	shalt  }
0x56: {  	_ =	shalt  }
0x57: {  	_ =	shalt  }
0x58: {  	_ =	shalt  }
0x59: {  	_ =	shalt  }
0x5a: {  	_ =	shalt  }
0x5b: {  	_ =	shalt  }
0x5c: {  	_ =	shalt  }
0x5d: {  	_ =	shalt  }
0x5e: {  	_ =	shalt  }
0x5f: {  	_ =	shalt  }
0x60: {  	_ =	shalt  }
0x61: {  	_ =	shalt  }
0x62: {  	_ =	shalt  }
0x63: {  	_ =	shalt  }
0x64: {  	_ =	shalt  }
0x65: {  	_ =	shalt  }
0x66: {  	_ =	shalt  }
0x67: {  	_ =	shalt  }
0x68: {  	_ =	shalt  }
0x69: {  	_ =	shalt  }
0x6a: {  	_ =	shalt  }
0x6b: {  	_ =	shalt  }
0x6c: {  	_ =	shalt  }
0x6d: {  	_ =	shalt  }
0x6e: {  	_ =	shalt  }
0x6f: {  	_ =	shalt  }
0x70: {  	_ =	shalt  }
0x71: {  	_ =	shalt  }
0x72: {  	_ =	shalt  }
0x73: {  	_ =	shalt  }
0x74: {  	_ =	shalt  }
0x75: {  	_ =	shalt  }
0x76: {  	_ =	shalt  }
0x77: {  	_ =	shalt  }
0x78: {  	_ =	shalt  }
0x79: {  	_ =	shalt  }
0x7a: {  	_ =	shalt  }
0x7b: {  	_ =	shalt  }
0x7c: {  	_ =	shalt  }
0x7d: {  	_ =	shalt  }
0x7e: {  	_ =	shalt  }
0x7f: {  	_ =	shalt  }
0x80: {  	_ =	shalt  }
0x81: {  	_ =	shalt  }
0x82: {  	_ =	shalt  }
0x83: {  	_ =	shalt  }
0x84: {  	_ =	shalt  }
0x85: {  	_ =	shalt  }
0x86: {  	_ =	shalt  }
0x87: {  	_ =	shalt  }
.Lfunc_end0:
.L_simem_size_0:
called_computation.1_lowered:
.L_overlay_start_0:
0x88: {  	s2 =	sld [smem:$0x3FD9]  }
0x89: {  	s3 =	sld [smem:$0x3FFE];
	_ =	sdelay $0x1  }
0x8a: {  	s1 =	srdreg.scid  }
0x8b: {  	s0 =	sand.u32 $0x1, s1  }
0x8c: {  	s17 =	sshll.u32 s0, $0xA;
	s2 =	sadd.s32 s3, s2  }
0x8d: {  	s2 =	sadd.s32 s2, s17  }
0x8e: {  	[smem:$0x3FC7] =	sst s2  }
0x8f: {  	_ = 	snop  }
0x90: {  	s2 =	sld [smem:$0x3FD0];
	(tm) =	ssettm $0x1  }
0x91: {  	s18 =	sld [smem:$0x3FFB];
	_ =	sdelay $0x3  }
0x92: {  	_ =	strace s18  }
0x93: {  	s3 =	sld [smem:$0x3FFC];
	_ =	sdelay $0x3  }
0x94: {  	_ =	strace s3  }
0x95: {  	s3 =	sld [smem:$0x3FFD];
	_ =	sdelay $0x3  }
0x96: {  	_ =	strace s3  }
0x97: {  	_ =	strace $0x8FFFFFFF  }
0x98: {  	s19 =	sld [smem:$0x3FDB];
	_ =	sdelay $0x1  }
0x99: {  	s4 =	simm.s32 $_scs_section_size  }
0x9a: {  	s5 =	simm.s32 $_size__tile_overlayer_lowered;
	s6 =	simm.s32 $_tile_overlayer_lowered  }
0x9b: {  	s22 =	simm.s32 $0x1BFF;
	s21 =	sshll.u32 s6, $0x1;
	s3 =	sadd.s32 s4, s19  }
0x9c: {  	s7 =	simm.s32 $0x0;
	s20 =	sshll.u32 s5, $0x1;
	s5 =	sadd.s32 s21, s3  }
0x9d: {  	[timem:s7], [sflag:s22] =	dma.local [hbm:s5], s20  }
0x9e: {  	_ =	swait.ge [sflag:s22], s20  }
0x9f: {  	s4 =	ssub.s32 $0x0, s20;
	[sflag:s22] =	ssyncset.done $0x0  }
0xa0: {  	[sflag:s22] =	ssyncadd.s32 s4;
	_ =	sdelay $0x1  }
0xa1: {  	s23 =	simm.s32 $0x1B8B  }
0xa2: {  	_ =	swait.ge [sflag:s23], $0x1  }
0xa3: {  	[sflag:s23] =	ssyncset.done $0x0  }
0xa4: {  	s25 =	simm.s32 $0x1B8E;
	s24 =	sld [smem:$0x3FFE];
	[sflag:s23] =	ssyncadd.s32 $0xFFFFFFFF  }
0xa5: {  	s26 =	simm.s32 $execute0_lowered;
	[smem:$0x3FD2] =	sst s25  }
0xa6: {  	s5 =	sshll.u32 s26, $0x1;
	_ =	strace $0x80000049;
	[dreg:$0x1] =	wrdreg $0xFFFFFFFF  }
0xa7: {  	s28 =	simm.s32 $_size_execute0_lowered;
	s3 =	sadd.s32 s3, s5;
	[dreg:$0x0] =	wrdreg $0x0  }
0xa8: {  	s5 =	sshll.u32 s28, $0x1;
	[dreg:$0x2] =	wrdreg s3  }
0xa9: {  	[dreg:$0x3] =	wrdreg s5  }
0xaa: {  	[dreg:$0x4] =	wrdreg $0xC0  }
0xab: {  	_ =	task [dreg:s7], $0x5FFFF  }
0xac: {  	[dreg:$0x1] =	wrdreg $0xFFFFFFFF  }
0xad: {  	[dreg:$0x0] =	wrdreg $0x60  }
0xae: {  	[dreg:$0x2] =	wrdreg s24  }
0xaf: {  	[dreg:$0x3] =	wrdreg s2  }
0xb0: {  	[dreg:$0x4] =	wrdreg $0x9  }
0xb1: {  	_ =	task.clear_ibuf [dreg:s7], $0x5FFFF;
	_ =	strace $0x90000049  }
0xb2: {  	s29 =	simm.s32 $0x9;
	_ =	strace $0x8000004B  }
0xb3: {  	_ =	swait.ge [sflag:s29], $0x1  }
0xb4: {  	[sflag:s29] =	ssyncadd.s32 $0xFFFFFFFF  }
0xb5: {  	_ =	strace $0x9000004B  }
0xb6: {  	_ =	sfence  }
0xb7: {  	s30 =	sld [smem:$0x0];
	_ =	sdelay $0x2  }
0xb8: {  	s31 =	sshll.u32 s1, $0xD;
	s1 =	sshrl.u32 s1, $0x2  }
0xb9: {  	s3 =	sand.u32 $0x4000, s31;
	s1 =	sadd.s32 s1, s30  }
0xba: {  	s0 =	sor.u32 s3, s0;
	s1 =	sshll.u32 s1, $0x11  }
0xbb: {  	s0 =	sor.u32 s1, s0  }
0xbc: {  	s0 =	sadd.s32 $0x8F2B, s0  }
0xbd: {  	[sflag:s0] =	ssyncadd.remote.s32 $0x1  }
0xbe: {  	_ =	sfence.sel $0xFFFF  }
0xbf: {  	[dreg:$0x0] =	wrdreg $0xFFFFFFFF;
	(pc) =	sbr.abs _section_cstart, $3  }
0xc0: {  	[dreg:$0x1] =	wrdreg $0xFFFFFFFF  }
0xc1: {  	_ =	task.clear_ibuf [dreg:s7], $0x2FFFF;
	_ =	strace $0x9FFFFFFF  }
0xc2: {  	(tm) =	ssettm $0x7FFFFFFF  }
0xc3: {  	_ =	shalt  }
tec
execute0_lowered:
.L_overlay_start_1:
0x0: {  	(tag) =	ssettag $0x1  }
0x1: {  	s6 =	rddreg [dreg:$0x0]  }
0x2: {  	s1 =	rddreg [dreg:$0x1]  }
0x3: {  	s0 =	rddreg [dreg:$0x2];
	s2 =	simm.s32 $0x0  }
0x4: {  	s3 =	srdreg.scid;
	s13 =	simm.s32 $0x8000;
	s14 =	simm.s32 $0xAA00  }
0x5: {  	s15 =	simm.s32 $0x2A00;
	s16 =	simm.s32 $0xD400;
	s17 =	simm.s32 $0x1  }
0x6: {  	s18 =	simm.s32 $0x2;
	s19 =	simm.s32 $0x0;
	[smem:$0x7FF] =	sst s2  }
0x7: {  	s4 =	sadd.s32 $0x1600, s6;
	s5 =	sadd.s32 $0x127600, s6;
	s7 =	sand.u32 $0x1, s3  }
0x8: {  	s3 =	stileid.u32;
	s10 =	sadd.s32 $0x24D600, s6;
	s8 =	ssub.s32 $0x2, s7  }
0x9: {  	s6 =	sadd.s32 $0x28D800, s6;
	s7 =	sshll.u32 s7, $0x4;
	s9 =	sshrl.u32 s8, $0x1  }
0xa: {  	_ =	strace $0x8000004A;
	s11 =	sor.u32 s3, s7;
	s12 =	ssub.s32 s8, s9  }
0xb: {  	s29 =	sshllo.u32 s11, $0x1;
	s7 =	smul.u32 $0x49800, s11;
	s30 =	sshll.u32 s11, $0xD  }
0xc: {  	s31 =	sshll.u32 s29, $0xC;
	s8 =	sadd.s32 s10, s30;
	s9 =	smul.u32 $0x24C00, s29  }
0xd: {  	s11 =	smax.u32 s12, $0x1;
	s12 =	simm.s32 $0x3;
	s10 =	sadd.s32 s10, s31  }
.LBB2_1:
0xe: {  	[tilespmem:s2], [sflag:$0x3] =	stream.linear.gather [hbm4b:s8+s2], $0x8000, $0x38;
	[tilespmem:$0xFE00] =	vst v63  }
0xf: {  	_ =	swait.ge [sflag:s12], $0x8000  }
0x10: {  	[sflag:s12] =	ssyncset.done $0x0  }
0x11: {  	s20 =	simm.s32 $0x0;
	[sflag:s12] =	ssyncadd.s32 $0xFFFF8000  }
.LBB2_2:
0x12: {  	s21 =	smul.u32 $0x2A00, s20;
	_ =	sdelay $0x1  }
0x13: {  	s21 =	sadd.s32 s7, s21  }
0x14: {  	s21 =	sshrl.u32 s21, $0x3  }
0x15: {  	s23 =	simm.s32 $0x0;
	s22 =	sadd.s32 s4, s21  }
0x16: {  	[tilespmem:s13], [sflag:$0x3] =	stream.linear.gather [hbm4b:s22+s23], $0x2A00, $0x38;
	[tilespmem:$0xFE00] =	vst v63  }
0x17: {  	_ =	swait.ge [sflag:s12], $0x2A00  }
0x18: {  	[sflag:s12] =	ssyncset.done $0x0  }
0x19: {  	s21 =	sadd.s32 s5, s21;
	[sflag:s12] =	ssyncadd.s32 $0xFFFFD600  }
0x1a: {  	[tilespmem:s14], [sflag:$0x3] =	stream.linear.gather [hbm4b:s21+s23], $0x2A00, $0x38;
	[tilespmem:$0xFE00] =	vst v63  }
0x1b: {  	_ =	swait.ge [sflag:s12], $0x2A00  }
0x1c: {  	[sflag:s12] =	ssyncset.done $0x0  }
0x1d: {  	s31 =	simm.s32 $0x0;
	[sflag:s12] =	ssyncadd.s32 $0xFFFFD600  }
0x1e: {  	v0 =	vld [tilespmem:s31+$0x8000];
	_ =	sdelay $0x4  }
0x1f: {  	v0 =	vshrl.u32 v0, $0xF  }
0x20: {  	(xrf1) =	vunique.msk.u32 $0xffff, v0;
	_ =	sdelay $0x9  }
0x21: {  	v2 =	vld.idx.msk [tilespmem:v0+s2+$0x0], $0xffff;
	_ =	sdelay $0x3  }
0x22: {  	_, v1, vm0 =	vpop (xrf1)  }
0x23: {  	v2 =	vadd.s32 v1, v2  }
0x24: {  	v2 =	vadd.s32 $0xFFFFFFFF, v2  }
0x25: {  	s22 =	simm.s32 $0x80;
	s21 =	simm.s32 $0x40;
	[tilespmem:s31+$0xD400] =	vst v2  }
.LBB2_3:
0x26: {  	_ = 	snop  }
0x27: {  	p0 =	sne.s32 s22, $0xA7C0  }
0x28: {  	s23 =	sshra.s32 s21, $0x2;
	[tilespmem:v0+s2+$0x0] =	vst.idx.add.s32.msk vm0, v1;
	s21 =	smov.u32 s22;
	s22 =	sadd.s32 $0x40, s22  }
0x29: {  	v0 =	vld [tilespmem:s23+$0x8000];
	_ =	sdelay $0x4  }
0x2a: {  	v0 =	vshrl.u32 v0, $0xF  }
0x2b: {  	(xrf1) =	vunique.msk.u32 $0xffff, v0;
	_ =	sdelay $0x8  }
0x2c: {  	v2 =	vld.idx.msk [tilespmem:v0+s2+$0x0], $0xffff;
	_ =	sdelay $0x3  }
.Ltmp0:
0x2d: {  	(pc) =	sbr.rel @p0 .LBB2_3-.Ltmp0, $4  }
0x2e: {  	_, v1, vm0 =	vpop (xrf1)  }
0x2f: {  	v2 =	vadd.s32 v1, v2  }
0x30: {  	v2 =	vadd.s32 $0xFFFFFFFF, v2  }
0x31: {  	[tilespmem:s23+$0xD400] =	vst v2  }
0x32: {  	_ =	sdelay $0x4  }
0x33: {  	s21 =	sshra.s32 s21, $0x2;
	[tilespmem:v0+s2+$0x0] =	vst.idx.add.s32.msk vm0, v1  }
0x34: {  	v0 =	vld [tilespmem:s21+$0x8000];
	_ =	sdelay $0x4  }
0x35: {  	v0 =	vshrl.u32 v0, $0xF  }
0x36: {  	(xrf1) =	vunique.msk.u32 $0xffff, v0;
	_ =	sdelay $0xb  }
0x37: {  	v1 =	vld.idx.msk [tilespmem:v0+s2+$0x0], $0xffff;
	_ =	sdelay $0x1  }
0x38: {  	_, v2, vm15 =	vpop (xrf1);
	_ =	sdelay $0x2  }
0x39: {  	v1 =	vadd.s32 v2, v1  }
0x3a: {  	v1 =	vadd.s32 $0xFFFFFFFF, v1  }
0x3b: {  	[tilespmem:s21+$0xD400] =	vst v1  }
0x3c: {  	[tilespmem:v0+s2+$0x0] =	vst.idx.add.s32.msk vm15, v2  }
0x3d: {  	[hbm4b:s1+s15] =	stream.indirect.scatter [tilespmem:s13], [sflag:$0x1], $0x1, s16, s15, $0xb8;
	[tilespmem:$0xFE00] =	vst v63  }
0x3e: {  	s20 =	sadd.s32 $0x1, s20  }
0x3f: {  	[hbm4b:s6+s15] =	stream.indirect.scatter [tilespmem:s14], [sflag:$0x2], $0x1, s16, s15, $0xb8;
	[tilespmem:$0xFE00] =	vst v63  }
0x40: {  	p0 =	sne.s32 s20, $0xE;
	_ =	swait.ge [sflag:s17], $0x2A00  }
.Ltmp1:
0x41: {  	[sflag:s17] =	ssyncset.done $0x0;
	(pc) =	sbr.rel @p0 .LBB2_2-.Ltmp1, $4  }
0x42: {  	[sflag:s17] =	ssyncadd.s32 $0xFFFFD600  }
0x43: {  	_ =	swait.ge [sflag:s18], $0x2A00  }
0x44: {  	[sflag:s18] =	ssyncset.done $0x0  }
0x45: {  	[sflag:s18] =	ssyncadd.s32 $0xFFFFD600  }
0x46: {  	s20 =	simm.s32 $0x0  }
0x47: {  	[tilespmem:s20], [sflag:$0x3] =	stream.linear.gather [hbm4b:s10+s20], $0x8000, $0x38;
	[tilespmem:$0xFE00] =	vst v63  }
0x48: {  	_ =	swait.ge [sflag:s12], $0x8000  }
0x49: {  	[sflag:s12] =	ssyncset.done $0x0  }
0x4a: {  	s21 =	simm.s32 $0x0;
	[sflag:s12] =	ssyncadd.s32 $0xFFFF8000  }
.LBB2_6:
0x4b: {  	s22 =	smul.u32 $0x2A00, s21;
	_ =	sdelay $0x1  }
0x4c: {  	s22 =	sadd.s32 s9, s22  }
0x4d: {  	s22 =	sshrl.u32 s22, $0x3  }
0x4e: {  	s23 =	sadd.s32 s4, s22  }
0x4f: {  	[tilespmem:s13], [sflag:$0x3] =	stream.linear.gather [hbm4b:s23+s20], $0x2A00, $0x38;
	[tilespmem:$0xFE00] =	vst v63  }
0x50: {  	_ =	swait.ge [sflag:s12], $0x2A00  }
0x51: {  	[sflag:s12] =	ssyncset.done $0x0  }
0x52: {  	s22 =	sadd.s32 s5, s22;
	[sflag:s12] =	ssyncadd.s32 $0xFFFFD600  }
0x53: {  	[tilespmem:s14], [sflag:$0x3] =	stream.linear.gather [hbm4b:s22+s20], $0x2A00, $0x38;
	[tilespmem:$0xFE00] =	vst v63  }
0x54: {  	_ =	swait.ge [sflag:s12], $0x2A00  }
0x55: {  	[sflag:s12] =	ssyncset.done $0x0  }
0x56: {  	s24 =	simm.s32 $0x0;
	[sflag:s12] =	ssyncadd.s32 $0xFFFFD600  }
0x57: {  	v0 =	vld [tilespmem:s24+$0x8000];
	_ =	sdelay $0x4  }
0x58: {  	v0 =	vshrl.u32 v0, $0xF  }
0x59: {  	(xrf1) =	vunique.msk.u32 $0xffff, v0;
	_ =	sdelay $0x9  }
0x5a: {  	v2 =	vld.idx.msk [tilespmem:v0+s2+$0x0], $0xffff;
	_ =	sdelay $0x3  }
0x5b: {  	_, v1, vm0 =	vpop (xrf1)  }
0x5c: {  	v2 =	vadd.s32 v1, v2  }
0x5d: {  	v2 =	vadd.s32 $0xFFFFFFFF, v2  }
0x5e: {  	s23 =	simm.s32 $0x80;
	s22 =	simm.s32 $0x40;
	[tilespmem:s24+$0xD400] =	vst v2  }
.LBB2_7:
0x5f: {  	_ = 	snop  }
0x60: {  	p0 =	sne.s32 s23, $0xA7C0  }
0x61: {  	s24 =	sshra.s32 s22, $0x2;
	[tilespmem:v0+s2+$0x0] =	vst.idx.add.s32.msk vm0, v1;
	s22 =	smov.u32 s23;
	s23 =	sadd.s32 $0x40, s23  }
0x62: {  	v0 =	vld [tilespmem:s24+$0x8000];
	_ =	sdelay $0x4  }
0x63: {  	v0 =	vshrl.u32 v0, $0xF  }
0x64: {  	(xrf1) =	vunique.msk.u32 $0xffff, v0;
	_ =	sdelay $0x8  }
0x65: {  	v2 =	vld.idx.msk [tilespmem:v0+s2+$0x0], $0xffff;
	_ =	sdelay $0x3  }
.Ltmp2:
0x66: {  	(pc) =	sbr.rel @p0 .LBB2_7-.Ltmp2, $4  }
0x67: {  	_, v1, vm0 =	vpop (xrf1)  }
0x68: {  	v2 =	vadd.s32 v1, v2  }
0x69: {  	v2 =	vadd.s32 $0xFFFFFFFF, v2  }
0x6a: {  	[tilespmem:s24+$0xD400] =	vst v2  }
0x6b: {  	_ =	sdelay $0x4  }
0x6c: {  	s22 =	sshra.s32 s22, $0x2;
	[tilespmem:v0+s2+$0x0] =	vst.idx.add.s32.msk vm0, v1  }
0x6d: {  	v0 =	vld [tilespmem:s22+$0x8000];
	_ =	sdelay $0x4  }
0x6e: {  	v0 =	vshrl.u32 v0, $0xF  }
0x6f: {  	(xrf1) =	vunique.msk.u32 $0xffff, v0;
	_ =	sdelay $0xb  }
0x70: {  	v1 =	vld.idx.msk [tilespmem:v0+s2+$0x0], $0xffff;
	_ =	sdelay $0x1  }
0x71: {  	_, v2, vm15 =	vpop (xrf1);
	_ =	sdelay $0x2  }
0x72: {  	v1 =	vadd.s32 v2, v1  }
0x73: {  	v1 =	vadd.s32 $0xFFFFFFFF, v1  }
0x74: {  	[tilespmem:s22+$0xD400] =	vst v1  }
0x75: {  	[tilespmem:v0+s2+$0x0] =	vst.idx.add.s32.msk vm15, v2  }
0x76: {  	[hbm4b:s1+s15] =	stream.indirect.scatter [tilespmem:s13], [sflag:$0x1], $0x1, s16, s15, $0xb8;
	[tilespmem:$0xFE00] =	vst v63  }
0x77: {  	s21 =	sadd.s32 $0x1, s21  }
0x78: {  	[hbm4b:s6+s15] =	stream.indirect.scatter [tilespmem:s14], [sflag:$0x2], $0x1, s16, s15, $0xb8;
	[tilespmem:$0xFE00] =	vst v63  }
0x79: {  	p0 =	sne.s32 s21, $0xE;
	_ =	swait.ge [sflag:s17], $0x2A00  }
.Ltmp3:
0x7a: {  	[sflag:s17] =	ssyncset.done $0x0;
	(pc) =	sbr.rel @p0 .LBB2_6-.Ltmp3, $4  }
0x7b: {  	[sflag:s17] =	ssyncadd.s32 $0xFFFFD600  }
0x7c: {  	_ =	swait.ge [sflag:s18], $0x2A00  }
0x7d: {  	[sflag:s18] =	ssyncset.done $0x0  }
0x7e: {  	[sflag:s18] =	ssyncadd.s32 $0xFFFFD600  }
0x7f: {  	s19 =	sadd.s32 $0x1, s19  }
0x80: {  	p0 =	sne.s32 s19, s11  }
.Ltmp4:
0x81: {  	_ = 	snop;
	(pc) =	sbr.rel @p0 .LBB2_1-.Ltmp4, $1  }
0x82: {  	_ =	sdelay $0x3  }
0x83: {  	_ =	sfence.sel $0x180000  }
0x84: {  	[bflag:$0x0] =	sbarrier.arrive $0xFFFF  }
0x85: {  	p0 =	sne.s32 s3, $0x0;
	_ =	strace $0x9000004A  }
0x86: {  	s0 =	sadd.s32 @!p0 $0x100000, s0;
	[bflag:$0x2] =	sbarrier.arrive $0xFFFF  }
0x87: {  	[sflag:s0] =	ssyncadd.tile.s32 @!p0 $0x1;
	_ =	shalt  }
.Lfunc_end2:
_tile_overlayer_lowered:
.L_overlay_start_2:
0x88: {  	(tag) =	ssettag $0x2  }
0x89: {  	s0 =	rddreg [dreg:$0x0];
	s2 =	stileid.u32  }
0x8a: {  	s1 =	rddreg [dreg:$0x1];
	p0 =	sne.s32 s2, $0x0  }
0x8b: {  	s3 =	rddreg [dreg:$0x2];
	[bflag:$0x3] =	sbarrier.arrive $0xFFFF;
	s2 =	simm.s32 @!p0 $0x1C03  }
0x8c: {  	[timem:s3], [sflag:s2] =	dma.local @!p0 [hbm:s0], s1  }
0x8d: {  	s0 =	simm.s32 @!p0 $0x3  }
0x8e: {  	_ =	swait.ge @!p0 [sflag:s0], s1  }
0x8f: {  	s1 =	ssub.s32 @!p0 $0x0, s1;
	[sflag:s0] =	ssyncset.done @!p0 $0x0  }
0x90: {  	[sflag:s0] =	ssyncadd.s32 @!p0 s1  }
0x91: {  	[bflag:$0x3] =	sbarrier.arrive $0xFFFF  }
0x92: {  	_ =	shalt  }

</sc_bundles>
